<compile_context>
chip_gen: v7x
topology: tpu7x:2x2x1
jax: 0.10.2.dev20260603
libtpu: 0.0.44.dev20260713+nightly
codegen_flags: <defaults>
</compile_context>

<pallas_src>
import jax
import jax.numpy as jnp
from jax import lax
from jax.experimental import pallas as pl
from jax.experimental.pallas import tpu as pltpu
from jax.experimental.pallas import tpu_sc as plsc

_RB = 80
_W = 8192
_SENT = 2**31 - 1


def _build(M, D, B):
  NC, NS, L = 2, 16, 16
  NW = NC * NS
  BS = _RB * D
  NBLK = (M // _RB)
  SH = (D - 1).bit_length()
  E = B * D
  RPN = (NBLK + 17 + 7) // 8 * 8

  mesh = plsc.VectorSubcoreMesh(core_axis_name="c", subcore_axis_name="s")

  @pl.kernel(
      out_type=jax.ShapeDtypeStruct((M, D), jnp.float32),
      mesh=mesh,
      compiler_params=pltpu.CompilerParams(needs_layout_passes=False),
      scratch_types=[
          pltpu.VMEM((_RB, D), jnp.float32),
          pltpu.VMEM((_W,), jnp.int32),
          pltpu.VMEM((_W,), jnp.float32),
          pltpu.VMEM((RPN,), jnp.int32),
      ],
  )
  def k(inp, tgt, val, rp, out, blk_v, cell_v, valw_v, rp_v):
    core = lax.axis_index("c")
    sub = lax.axis_index("s")
    wid = sub * NC + core
    lanes = lax.iota(jnp.int32, L)

    pltpu.sync_copy(rp, rp_v)

    @pl.loop(wid, NBLK, step=NW)
    def _blk(b):
      r0 = b * _RB
      gbase = b * BS
      pltpu.sync_copy(inp.at[pl.ds(r0, _RB), :], blk_v)

      b0 = pl.multiple_of((b >> 3) << 3, 8)
      q = b - b0
      rvec = rp_v[pl.ds(b0, L)]
      neg = jnp.full((L,), -(2**31), jnp.int32)
      p0 = jnp.max(jnp.where(lanes == q, rvec, neg))
      p1 = jnp.max(jnp.where(lanes == q + 1, rvec, neg))
      o0 = pl.multiple_of((p0 >> 3) << 3, 8)
      nw = (p1 - o0 + _W - 1) // _W

      @pl.loop(0, nw)
      def _win(w2):
        sw = pl.multiple_of(jnp.minimum(o0 + w2 * _W, E - _W), 8)
        pltpu.sync_copy(tgt.at[pl.ds(sw, _W)], cell_v)
        pltpu.sync_copy(val.at[pl.ds(sw, _W)], valw_v)

        @pl.loop(0, _W // L, unroll=8)
        def _vec(v):
          s = pl.ds(v * L, L)
          cells = cell_v[s]
          vals = valw_v[s]
          loc = cells - gbase
          mask = (loc >= 0) & (loc < BS)
          locc = jnp.where(mask, loc, 0)
          plsc.store_scatter(
              blk_v, [locc >> SH, locc & (D - 1)], vals, mask=mask)

      pltpu.sync_copy(blk_v, out.at[pl.ds(r0, _RB), :])

  return k


@jax.jit
def _run(inp, idx, src):
  M, D = inp.shape
  B = idx.shape[0]
  E = B * D
  BS = _RB * D
  NBLK = M // _RB
  col = jnp.broadcast_to(jnp.arange(D, dtype=idx.dtype), (B, D))
  key = (idx * D + col).reshape(-1)
  k_s, v_s = lax.sort((key, src.reshape(-1)), num_keys=1, is_stable=False)
  nxt = jnp.concatenate([k_s[1:], jnp.full((1,), -1, k_s.dtype)])
  tgt = jnp.where(k_s != nxt, k_s, _SENT)
  bounds = jnp.arange(NBLK + 1, dtype=jnp.int32) * BS
  rp = jnp.searchsorted(k_s, bounds, side="left").astype(jnp.int32)
  RPN = (NBLK + 17 + 7) // 8 * 8
  rp = jnp.concatenate([rp, jnp.full((RPN - NBLK - 1,), E, jnp.int32)])
  return _build(M, D, B)(inp, tgt, v_s, rp)


def kernel(input, dim, index, src):
  del dim
  return _run(input, index, src)

# --- scband reference (transcript-rebuilt; emitter-appended) ---
"""Pipeline reference for scband-dummy-model-33938831573485 (READ-ONLY COPY).

The authoritative reference and input builder live on the scoring server;
editing this copy changes nothing except your own understanding.
"""

import jax, jax.numpy as jnp
import numpy as np

M, D, B = 100000, 512, 16384

def setup_inputs(seed: int = 0) -> dict:
    key = jax.random.key(seed)
    k1, k2, k3 = jax.random.split(key, 3)
    inp = jax.random.normal(k1, (M, D), dtype=jnp.float32)
    index = jax.random.randint(k2, (B, D), 0, M)
    src = jax.random.normal(k3, (B, D), dtype=jnp.float32)
    return {"input": inp, "dim": 0, "index": index, "src": src}

def reference(input, dim, index, src):
    # torch.scatter(input, dim=0, index, src):
    #   out[index[i, j], j] = src[i, j]; untouched entries keep input's values.
    col = jnp.broadcast_to(jnp.arange(input.shape[1]), index.shape)
    row = index + jnp.asarray(dim, dtype=index.dtype)
    out = input.at[row, col].set(src)
    return out

if __name__ == "__main__":
    import jax
    _d = setup_inputs()
    print(jax.jit(kernel)(*tuple(_d.values())))

</pallas_src>

<mosaic_0001>
#map = affine_map<(d0, d1) -> (0, 0)>
#map1 = affine_map<(d0, d1) -> (0)>
module attributes {stable_mosaic.version = 14 : i64} {
  func.func @k(%arg0: i32, %arg1: i32, %arg2: memref<100000x512xf32, #tpu.memory_space<hbm>>, %arg3: memref<8388608xi32, #tpu.memory_space<hbm>>, %arg4: memref<8388608xf32, #tpu.memory_space<hbm>>, %arg5: memref<1272xi32, #tpu.memory_space<hbm>>, %arg6: memref<100000x512xf32, #tpu.memory_space<hbm>>, %arg7: memref<80x512xf32, #tpu.memory_space<vmem>>, %arg8: memref<8192xi32, #tpu.memory_space<vmem>>, %arg9: memref<8192xf32, #tpu.memory_space<vmem>>, %arg10: memref<1272xi32, #tpu.memory_space<vmem>>) attributes {dimension_semantics = [#tpu.dimension_semantics<core_parallel>, #tpu.dimension_semantics<subcore_parallel>], iteration_bounds = array<i64: 2, 16>, scalar_prefetch = 0 : i64, scratch_operands = 4 : i64, tpu.core_type = #tpu.core_type<sc_vector_subcore>, window_params = [{transform_indices = #map}, {transform_indices = #map1}, {transform_indices = #map1}, {transform_indices = #map1}, {transform_indices = #map}]} {
    %mul3A = arith.constant 2 : i32
    %mul3A_0 = arith.muli %arg1, %mul3A : i32
    %add3A = arith.addi %mul3A_0, %arg0 : i32
    %iota3A = tpu.iota {dimensions = array<i32: 0>} : vector<16xi32>
    "tpu.region"() ({
      %run_scoped3A = tpu.sem_alloc : memref<!tpu.dma_semaphore, #tpu.memory_space<semaphore_mem>>
      tpu.enqueue_dma source(%arg5 : memref<1272xi32, #tpu.memory_space<hbm>>) target(%arg10 : memref<1272xi32, #tpu.memory_space<vmem>>) target_semaphore(%run_scoped3A : memref<!tpu.dma_semaphore, #tpu.memory_space<semaphore_mem>>)
      tpu.wait_dma2 semaphore(%run_scoped3A : memref<!tpu.dma_semaphore, #tpu.memory_space<semaphore_mem>>) src(%arg5 : memref<1272xi32, #tpu.memory_space<hbm>>) dst(%arg10 : memref<1272xi32, #tpu.memory_space<vmem>>)
      tpu.yield
    }) : () -> ()
    %sub3A = arith.constant 1250 : i32
    %sub3A_1 = arith.subi %sub3A, %add3A : i32
    %sub3A_2 = arith.constant 32 : i32
    %sub3A_3 = arith.constant 1 : i32
    %sub3A_4 = arith.subi %sub3A_2, %sub3A_3 : i32
    %add3A_5 = arith.addi %sub3A_1, %sub3A_4 : i32
    %div3A = arith.constant 32 : i32
    %div3A_6 = arith.divsi %add3A_5, %div3A : i32
    %while3A = arith.constant 32 : i32
    %while3A_7 = arith.constant 0 : i32
    %while3A_8 = arith.subi %div3A_6, %while3A_7 : i32
    %while3A_9 = arith.addi %while3A_7, %while3A_8 : i32
    %while3A_10 = arith.constant 1 : i32
    %while3A_11 = arith.divsi %while3A_8, %while3A_10 : i32
    %while3A_12 = arith.muli %while3A_11, %while3A_10 : i32
    %while3A_13 = arith.addi %while3A_7, %while3A_12 : i32
    %while3A_14 = arith.constant 1 : i32
    scf.for %while3A_16 = %while3A_7 to %while3A_13 step %while3A_14  : i32 {
      %mul3A_17 = arith.muli %while3A_16, %while3A : i32
      %add3A_18 = arith.addi %add3A, %mul3A_17 : i32
      %mul3A_19 = arith.constant 80 : i32
      %mul3A_20 = arith.muli %add3A_18, %mul3A_19 : i32
      %mul3A_21 = arith.constant 40960 : i32
      %mul3A_22 = arith.muli %add3A_18, %mul3A_21 : i32
      "tpu.region"() ({
        %run_scoped3A = tpu.sem_alloc : memref<!tpu.dma_semaphore, #tpu.memory_space<semaphore_mem>>
        %dma_start3A = arith.constant 0 : i32
        %dma_start3A_97 = tpu.memref_slice %arg2[%mul3A_20, %dma_start3A] : memref<100000x512xf32, #tpu.memory_space<hbm>> -> memref<80x512xf32, #tpu.memory_space<hbm>>
        %dma_start3A_98 = arith.constant 0 : i32
        %dma_start3A_99 = tpu.memref_slice %arg2[%mul3A_20, %dma_start3A_98] : memref<100000x512xf32, #tpu.memory_space<hbm>> -> memref<80x512xf32, #tpu.memory_space<hbm>>
        tpu.enqueue_dma source(%dma_start3A_99 : memref<80x512xf32, #tpu.memory_space<hbm>>) target(%arg7 : memref<80x512xf32, #tpu.memory_space<vmem>>) target_semaphore(%run_scoped3A : memref<!tpu.dma_semaphore, #tpu.memory_space<semaphore_mem>>)
        %dma_wait3A = arith.constant 0 : i32
        %dma_wait3A_100 = tpu.memref_slice %arg2[%mul3A_20, %dma_wait3A] : memref<100000x512xf32, #tpu.memory_space<hbm>> -> memref<80x512xf32, #tpu.memory_space<hbm>>
        %dma_wait3A_101 = arith.constant 0 : i32
        %dma_wait3A_102 = tpu.memref_slice %arg2[%mul3A_20, %dma_wait3A_101] : memref<100000x512xf32, #tpu.memory_space<hbm>> -> memref<80x512xf32, #tpu.memory_space<hbm>>
        tpu.wait_dma2 semaphore(%run_scoped3A : memref<!tpu.dma_semaphore, #tpu.memory_space<semaphore_mem>>) src(%dma_wait3A_102 : memref<80x512xf32, #tpu.memory_space<hbm>>) dst(%arg7 : memref<80x512xf32, #tpu.memory_space<vmem>>)
        tpu.yield
      }) : () -> ()
      %shift_right_arithmetic3A = arith.constant 3 : i32
      %shift_right_arithmetic3A_23 = arith.shrsi %add3A_18, %shift_right_arithmetic3A : i32
      %shift_left3A = arith.constant 3 : i32
      %shift_left3A_24 = arith.shli %shift_right_arithmetic3A_23, %shift_left3A : i32
      %multiple_of3A = tpu.assume_multiple %shift_left3A_24, 8 : i32
      %sub3A_25 = arith.subi %add3A_18, %multiple_of3A : i32
      %get3A = arith.index_cast %multiple_of3A : i32 to index
      %get3A_26 = tpu.vector_load %arg10[%get3A] {strides = array<i32>} : memref<1272xi32, #tpu.memory_space<vmem>>, vector<16xi32>,
      %broadcast_in_dim3A = arith.constant -2147483648 : i32
      %broadcast_in_dim3A_27 = vector.broadcast %broadcast_in_dim3A : i32 to vector<16xi32>
      %eq3A = vector.broadcast %sub3A_25 : i32 to vector<16xi32>
      %eq3A_28 = arith.cmpi eq, %iota3A, %eq3A : vector<16xi32>
      %select_n3A = arith.select %eq3A_28, %get3A_26, %broadcast_in_dim3A_27 : vector<16xi1>, vector<16xi32>
      %reduce_max3A = arith.constant true
      %reduce_max3A_29 = vector.broadcast %reduce_max3A : i1 to vector<16xi1>
      %reduce_max3A_30 = arith.constant -2147483648 : i32
      %reduce_max3A_31 = vector.broadcast %reduce_max3A_30 : i32 to vector<16xi32>
      %reduce_max3A_32 = arith.xori %select_n3A, %reduce_max3A_31 : vector<16xi32>
      %reduce_max3A_33 = tpu.scan <max>, %reduce_max3A_32 masked %reduce_max3A_29 : vector<16xi32>, vector<16xi1> -> vector<16xi32>
      %reduce_max3A_34 = arith.xori %reduce_max3A_33, %reduce_max3A_31 : vector<16xi32>
      %reduce_max3A_35 = vector.extract %reduce_max3A_34[15] : i32 from vector<16xi32>
      %add3A_36 = arith.constant 1 : i32
      %add3A_37 = arith.addi %sub3A_25, %add3A_36 : i32
      %eq3A_38 = vector.broadcast %add3A_37 : i32 to vector<16xi32>
      %eq3A_39 = arith.cmpi eq, %iota3A, %eq3A_38 : vector<16xi32>
      %select_n3A_40 = arith.select %eq3A_39, %get3A_26, %broadcast_in_dim3A_27 : vector<16xi1>, vector<16xi32>
      %reduce_max3A_41 = arith.constant true
      %reduce_max3A_42 = vector.broadcast %reduce_max3A_41 : i1 to vector<16xi1>
      %reduce_max3A_43 = arith.constant -2147483648 : i32
      %reduce_max3A_44 = vector.broadcast %reduce_max3A_43 : i32 to vector<16xi32>
      %reduce_max3A_45 = arith.xori %select_n3A_40, %reduce_max3A_44 : vector<16xi32>
      %reduce_max3A_46 = tpu.scan <max>, %reduce_max3A_45 masked %reduce_max3A_42 : vector<16xi32>, vector<16xi1> -> vector<16xi32>
      %reduce_max3A_47 = arith.xori %reduce_max3A_46, %reduce_max3A_44 : vector<16xi32>
      %reduce_max3A_48 = vector.extract %reduce_max3A_47[15] : i32 from vector<16xi32>
      %shift_right_arithmetic3A_49 = arith.constant 3 : i32
      %shift_right_arithmetic3A_50 = arith.shrsi %reduce_max3A_35, %shift_right_arithmetic3A_49 : i32
      %shift_left3A_51 = arith.constant 3 : i32
      %shift_left3A_52 = arith.shli %shift_right_arithmetic3A_50, %shift_left3A_51 : i32
      %multiple_of3A_53 = tpu.assume_multiple %shift_left3A_52, 8 : i32
      %sub3A_54 = arith.subi %reduce_max3A_48, %multiple_of3A_53 : i32
      %add3A_55 = arith.constant 8192 : i32
      %add3A_56 = arith.addi %sub3A_54, %add3A_55 : i32
      %sub3A_57 = arith.constant 1 : i32
      %sub3A_58 = arith.subi %add3A_56, %sub3A_57 : i32
      %jit3A = arith.constant 8192 : i32
      %div3A_59 = arith.divsi %sub3A_58, %jit3A : i32
      %sign3A = arith.constant 0 : i32
      %sign3A_60 = arith.cmpi sgt, %sub3A_58, %sign3A : i32
      %sign3A_61 = arith.extui %sign3A_60 : i1 to i32
      %sign3A_62 = arith.constant 0 : i32
      %sign3A_63 = arith.cmpi slt, %sub3A_58, %sign3A_62 : i32
      %sign3A_64 = arith.extui %sign3A_63 : i1 to i32
      %sign3A_65 = arith.subi %sign3A_61, %sign3A_64 : i32
      %sign3A_66 = arith.constant 0 : i32
      %sign3A_67 = arith.cmpi sgt, %jit3A, %sign3A_66 : i32
      %sign3A_68 = arith.extui %sign3A_67 : i1 to i32
      %sign3A_69 = arith.constant 0 : i32
      %sign3A_70 = arith.cmpi slt, %jit3A, %sign3A_69 : i32
      %sign3A_71 = arith.extui %sign3A_70 : i1 to i32
      %sign3A_72 = arith.subi %sign3A_68, %sign3A_71 : i32
      %ne3A = arith.cmpi ne, %sign3A_65, %sign3A_72 : i32
      %rem3A = arith.remsi %sub3A_58, %jit3A : i32
      %ne3A_73 = arith.constant 0 : i32
      %ne3A_74 = arith.cmpi ne, %rem3A, %ne3A_73 : i32
      %and3A = arith.andi %ne3A, %ne3A_74 : i1
      %sub3A_75 = arith.constant 1 : i32
      %sub3A_76 = arith.subi %div3A_59, %sub3A_75 : i32
      %select_n3A_77 = arith.select %and3A, %sub3A_76, %div3A_59 : i32
      %sub3A_78 = arith.constant 0 : i32
      %sub3A_79 = arith.subi %select_n3A_77, %sub3A_78 : i32
      %sub3A_80 = arith.constant 1 : i32
      %sub3A_81 = arith.constant 1 : i32
      %sub3A_82 = arith.subi %sub3A_80, %sub3A_81 : i32
      %add3A_83 = arith.addi %sub3A_79, %sub3A_82 : i32
      %div3A_84 = arith.constant 1 : i32
      %div3A_85 = arith.divsi %add3A_83, %div3A_84 : i32
      %while3A_86 = arith.constant 1 : i32
      %while3A_87 = arith.constant 0 : i32
      %while3A_88 = arith.constant 0 : i32
      %while3A_89 = arith.subi %div3A_85, %while3A_88 : i32
      %while3A_90 = arith.addi %while3A_88, %while3A_89 : i32
      %while3A_91 = arith.constant 1 : i32
      %while3A_92 = arith.divsi %while3A_89, %while3A_91 : i32
      %while3A_93 = arith.muli %while3A_92, %while3A_91 : i32
      %while3A_94 = arith.addi %while3A_88, %while3A_93 : i32
      %while3A_95 = arith.constant 1 : i32
      scf.for %while3A_97 = %while3A_88 to %while3A_94 step %while3A_95  : i32 {
        %mul3A_98 = arith.muli %while3A_97, %while3A_86 : i32
        %add3A_99 = arith.addi %while3A_87, %mul3A_98 : i32
        %mul3A_100 = arith.constant 8192 : i32
        %mul3A_101 = arith.muli %add3A_99, %mul3A_100 : i32
        %add3A_102 = arith.addi %multiple_of3A_53, %mul3A_101 : i32
        %min3A = arith.constant 8380416 : i32
        %min3A_103 = arith.minsi %add3A_102, %min3A : i32
        %multiple_of3A_104 = tpu.assume_multiple %min3A_103, 8 : i32
        "tpu.region"() ({
          %run_scoped3A = tpu.sem_alloc : memref<!tpu.dma_semaphore, #tpu.memory_space<semaphore_mem>>
          %dma_start3A = tpu.memref_slice %arg3[%multiple_of3A_104] : memref<8388608xi32, #tpu.memory_space<hbm>> -> memref<8192xi32, #tpu.memory_space<hbm>>
          %dma_start3A_109 = tpu.memref_slice %arg3[%multiple_of3A_104] : memref<8388608xi32, #tpu.memory_space<hbm>> -> memref<8192xi32, #tpu.memory_space<hbm>>
          tpu.enqueue_dma source(%dma_start3A_109 : memref<8192xi32, #tpu.memory_space<hbm>>) target(%arg8 : memref<8192xi32, #tpu.memory_space<vmem>>) target_semaphore(%run_scoped3A : memref<!tpu.dma_semaphore, #tpu.memory_space<semaphore_mem>>)
          %dma_wait3A = tpu.memref_slice %arg3[%multiple_of3A_104] : memref<8388608xi32, #tpu.memory_space<hbm>> -> memref<8192xi32, #tpu.memory_space<hbm>>
          %dma_wait3A_110 = tpu.memref_slice %arg3[%multiple_of3A_104] : memref<8388608xi32, #tpu.memory_space<hbm>> -> memref<8192xi32, #tpu.memory_space<hbm>>
          tpu.wait_dma2 semaphore(%run_scoped3A : memref<!tpu.dma_semaphore, #tpu.memory_space<semaphore_mem>>) src(%dma_wait3A_110 : memref<8192xi32, #tpu.memory_space<hbm>>) dst(%arg8 : memref<8192xi32, #tpu.memory_space<vmem>>)
          tpu.yield
        }) : () -> ()
        "tpu.region"() ({
          %run_scoped3A = tpu.sem_alloc : memref<!tpu.dma_semaphore, #tpu.memory_space<semaphore_mem>>
          %dma_start3A = tpu.memref_slice %arg4[%multiple_of3A_104] : memref<8388608xf32, #tpu.memory_space<hbm>> -> memref<8192xf32, #tpu.memory_space<hbm>>
          %dma_start3A_109 = tpu.memref_slice %arg4[%multiple_of3A_104] : memref<8388608xf32, #tpu.memory_space<hbm>> -> memref<8192xf32, #tpu.memory_space<hbm>>
          tpu.enqueue_dma source(%dma_start3A_109 : memref<8192xf32, #tpu.memory_space<hbm>>) target(%arg9 : memref<8192xf32, #tpu.memory_space<vmem>>) target_semaphore(%run_scoped3A : memref<!tpu.dma_semaphore, #tpu.memory_space<semaphore_mem>>)
          %dma_wait3A = tpu.memref_slice %arg4[%multiple_of3A_104] : memref<8388608xf32, #tpu.memory_space<hbm>> -> memref<8192xf32, #tpu.memory_space<hbm>>
          %dma_wait3A_110 = tpu.memref_slice %arg4[%multiple_of3A_104] : memref<8388608xf32, #tpu.memory_space<hbm>> -> memref<8192xf32, #tpu.memory_space<hbm>>
          tpu.wait_dma2 semaphore(%run_scoped3A : memref<!tpu.dma_semaphore, #tpu.memory_space<semaphore_mem>>) src(%dma_wait3A_110 : memref<8192xf32, #tpu.memory_space<hbm>>) dst(%arg9 : memref<8192xf32, #tpu.memory_space<vmem>>)
          tpu.yield
        }) : () -> ()
        %scan3A = arith.constant 0 : i32
        %scan3A_105 = arith.constant 512 : i32
        %scan3A_106 = arith.addi %scan3A, %scan3A_105 : i32
        %scan3A_107 = arith.constant 8 : i32
        scf.for %scan3A_109 = %scan3A to %scan3A_106 step %scan3A_107  : i32 {
          %mul3A_110 = arith.constant 1 : i32
          %mul3A_111 = arith.muli %scan3A_109, %mul3A_110 : i32
          %add3A_112 = arith.constant 0 : i32
          %add3A_113 = arith.addi %add3A_112, %mul3A_111 : i32
          %mul3A_114 = arith.constant 16 : i32
          %mul3A_115 = arith.muli %add3A_113, %mul3A_114 : i32
          %get3A_116 = arith.index_cast %mul3A_115 : i32 to index
          %get3A_117 = tpu.vector_load %arg8[%get3A_116] {strides = array<i32>} : memref<8192xi32, #tpu.memory_space<vmem>>, vector<16xi32>,
          %get3A_118 = arith.index_cast %mul3A_115 : i32 to index
          %get3A_119 = tpu.vector_load %arg9[%get3A_118] {strides = array<i32>} : memref<8192xf32, #tpu.memory_space<vmem>>, vector<16xf32>,
          %sub3A_120 = vector.broadcast %mul3A_22 : i32 to vector<16xi32>
          %sub3A_121 = arith.subi %get3A_117, %sub3A_120 : vector<16xi32>
          %ge3A = arith.constant 0 : i32
          %ge3A_122 = vector.broadcast %ge3A : i32 to vector<16xi32>
          %ge3A_123 = arith.cmpi sge, %sub3A_121, %ge3A_122 : vector<16xi32>
          %lt3A = arith.constant 40960 : i32
          %lt3A_124 = vector.broadcast %lt3A : i32 to vector<16xi32>
          %lt3A_125 = arith.cmpi slt, %sub3A_121, %lt3A_124 : vector<16xi32>
          %and3A_126 = arith.andi %ge3A_123, %lt3A_125 : vector<16xi1>
          %jit3A_127 = arith.constant 0 : i32
          %broadcast_in_dim3A_128 = vector.broadcast %jit3A_127 : i32 to vector<16xi32>
          %select_n3A_129 = arith.select %and3A_126, %sub3A_121, %broadcast_in_dim3A_128 : vector<16xi1>, vector<16xi32>
          %shift_right_arithmetic3A_130 = arith.constant 9 : i32
          %shift_right_arithmetic3A_131 = vector.broadcast %shift_right_arithmetic3A_130 : i32 to vector<16xi32>
          %shift_right_arithmetic3A_132 = arith.shrsi %select_n3A_129, %shift_right_arithmetic3A_131 : vector<16xi32>
          %and3A_133 = arith.constant 511 : i32
          %and3A_134 = vector.broadcast %and3A_133 : i32 to vector<16xi32>
          %and3A_135 = arith.andi %select_n3A_129, %and3A_134 : vector<16xi32>
          tpu.vector_store_idx %arg7[%shift_right_arithmetic3A_132, %and3A_135], %get3A_119 masked %and3A_126 : memref<80x512xf32, #tpu.memory_space<vmem>>[vector<16xi32>, vector<16xi32>], vector<16xf32>, vector<16xi1>
          %scan3A_136 = arith.constant 1 : i32
          %scan3A_137 = arith.addi %scan3A_109, %scan3A_136 : i32
          %mul3A_138 = arith.constant 1 : i32
          %mul3A_139 = arith.muli %scan3A_137, %mul3A_138 : i32
          %add3A_140 = arith.constant 0 : i32
          %add3A_141 = arith.addi %add3A_140, %mul3A_139 : i32
          %mul3A_142 = arith.constant 16 : i32
          %mul3A_143 = arith.muli %add3A_141, %mul3A_142 : i32
          %get3A_144 = arith.index_cast %mul3A_143 : i32 to index
          %get3A_145 = tpu.vector_load %arg8[%get3A_144] {strides = array<i32>} : memref<8192xi32, #tpu.memory_space<vmem>>, vector<16xi32>,
          %get3A_146 = arith.index_cast %mul3A_143 : i32 to index
          %get3A_147 = tpu.vector_load %arg9[%get3A_146] {strides = array<i32>} : memref<8192xf32, #tpu.memory_space<vmem>>, vector<16xf32>,
          %sub3A_148 = vector.broadcast %mul3A_22 : i32 to vector<16xi32>
          %sub3A_149 = arith.subi %get3A_145, %sub3A_148 : vector<16xi32>
          %ge3A_150 = arith.constant 0 : i32
          %ge3A_151 = vector.broadcast %ge3A_150 : i32 to vector<16xi32>
          %ge3A_152 = arith.cmpi sge, %sub3A_149, %ge3A_151 : vector<16xi32>
          %lt3A_153 = arith.constant 40960 : i32
          %lt3A_154 = vector.broadcast %lt3A_153 : i32 to vector<16xi32>
          %lt3A_155 = arith.cmpi slt, %sub3A_149, %lt3A_154 : vector<16xi32>
          %and3A_156 = arith.andi %ge3A_152, %lt3A_155 : vector<16xi1>
          %jit3A_157 = arith.constant 0 : i32
          %broadcast_in_dim3A_158 = vector.broadcast %jit3A_157 : i32 to vector<16xi32>
          %select_n3A_159 = arith.select %and3A_156, %sub3A_149, %broadcast_in_dim3A_158 : vector<16xi1>, vector<16xi32>
          %shift_right_arithmetic3A_160 = arith.constant 9 : i32
          %shift_right_arithmetic3A_161 = vector.broadcast %shift_right_arithmetic3A_160 : i32 to vector<16xi32>
          %shift_right_arithmetic3A_162 = arith.shrsi %select_n3A_159, %shift_right_arithmetic3A_161 : vector<16xi32>
          %and3A_163 = arith.constant 511 : i32
          %and3A_164 = vector.broadcast %and3A_163 : i32 to vector<16xi32>
          %and3A_165 = arith.andi %select_n3A_159, %and3A_164 : vector<16xi32>
          tpu.vector_store_idx %arg7[%shift_right_arithmetic3A_162, %and3A_165], %get3A_147 masked %and3A_156 : memref<80x512xf32, #tpu.memory_space<vmem>>[vector<16xi32>, vector<16xi32>], vector<16xf32>, vector<16xi1>
          %scan3A_166 = arith.constant 2 : i32
          %scan3A_167 = arith.addi %scan3A_109, %scan3A_166 : i32
          %mul3A_168 = arith.constant 1 : i32
          %mul3A_169 = arith.muli %scan3A_167, %mul3A_168 : i32
          %add3A_170 = arith.constant 0 : i32
          %add3A_171 = arith.addi %add3A_170, %mul3A_169 : i32
          %mul3A_172 = arith.constant 16 : i32
          %mul3A_173 = arith.muli %add3A_171, %mul3A_172 : i32
          %get3A_174 = arith.index_cast %mul3A_173 : i32 to index
          %get3A_175 = tpu.vector_load %arg8[%get3A_174] {strides = array<i32>} : memref<8192xi32, #tpu.memory_space<vmem>>, vector<16xi32>,
          %get3A_176 = arith.index_cast %mul3A_173 : i32 to index
          %get3A_177 = tpu.vector_load %arg9[%get3A_176] {strides = array<i32>} : memref<8192xf32, #tpu.memory_space<vmem>>, vector<16xf32>,
          %sub3A_178 = vector.broadcast %mul3A_22 : i32 to vector<16xi32>
          %sub3A_179 = arith.subi %get3A_175, %sub3A_178 : vector<16xi32>
          %ge3A_180 = arith.constant 0 : i32
          %ge3A_181 = vector.broadcast %ge3A_180 : i32 to vector<16xi32>
          %ge3A_182 = arith.cmpi sge, %sub3A_179, %ge3A_181 : vector<16xi32>
          %lt3A_183 = arith.constant 40960 : i32
          %lt3A_184 = vector.broadcast %lt3A_183 : i32 to vector<16xi32>
          %lt3A_185 = arith.cmpi slt, %sub3A_179, %lt3A_184 : vector<16xi32>
          %and3A_186 = arith.andi %ge3A_182, %lt3A_185 : vector<16xi1>
          %jit3A_187 = arith.constant 0 : i32
          %broadcast_in_dim3A_188 = vector.broadcast %jit3A_187 : i32 to vector<16xi32>
          %select_n3A_189 = arith.select %and3A_186, %sub3A_179, %broadcast_in_dim3A_188 : vector<16xi1>, vector<16xi32>
          %shift_right_arithmetic3A_190 = arith.constant 9 : i32
          %shift_right_arithmetic3A_191 = vector.broadcast %shift_right_arithmetic3A_190 : i32 to vector<16xi32>
          %shift_right_arithmetic3A_192 = arith.shrsi %select_n3A_189, %shift_right_arithmetic3A_191 : vector<16xi32>
          %and3A_193 = arith.constant 511 : i32
          %and3A_194 = vector.broadcast %and3A_193 : i32 to vector<16xi32>
          %and3A_195 = arith.andi %select_n3A_189, %and3A_194 : vector<16xi32>
          tpu.vector_store_idx %arg7[%shift_right_arithmetic3A_192, %and3A_195], %get3A_177 masked %and3A_186 : memref<80x512xf32, #tpu.memory_space<vmem>>[vector<16xi32>, vector<16xi32>], vector<16xf32>, vector<16xi1>
          %scan3A_196 = arith.constant 3 : i32
          %scan3A_197 = arith.addi %scan3A_109, %scan3A_196 : i32
          %mul3A_198 = arith.constant 1 : i32
          %mul3A_199 = arith.muli %scan3A_197, %mul3A_198 : i32
          %add3A_200 = arith.constant 0 : i32
          %add3A_201 = arith.addi %add3A_200, %mul3A_199 : i32
          %mul3A_202 = arith.constant 16 : i32
          %mul3A_203 = arith.muli %add3A_201, %mul3A_202 : i32
          %get3A_204 = arith.index_cast %mul3A_203 : i32 to index
          %get3A_205 = tpu.vector_load %arg8[%get3A_204] {strides = array<i32>} : memref<8192xi32, #tpu.memory_space<vmem>>, vector<16xi32>,
          %get3A_206 = arith.index_cast %mul3A_203 : i32 to index
          %get3A_207 = tpu.vector_load %arg9[%get3A_206] {strides = array<i32>} : memref<8192xf32, #tpu.memory_space<vmem>>, vector<16xf32>,
          %sub3A_208 = vector.broadcast %mul3A_22 : i32 to vector<16xi32>
          %sub3A_209 = arith.subi %get3A_205, %sub3A_208 : vector<16xi32>
          %ge3A_210 = arith.constant 0 : i32
          %ge3A_211 = vector.broadcast %ge3A_210 : i32 to vector<16xi32>
          %ge3A_212 = arith.cmpi sge, %sub3A_209, %ge3A_211 : vector<16xi32>
          %lt3A_213 = arith.constant 40960 : i32
          %lt3A_214 = vector.broadcast %lt3A_213 : i32 to vector<16xi32>
          %lt3A_215 = arith.cmpi slt, %sub3A_209, %lt3A_214 : vector<16xi32>
          %and3A_216 = arith.andi %ge3A_212, %lt3A_215 : vector<16xi1>
          %jit3A_217 = arith.constant 0 : i32
          %broadcast_in_dim3A_218 = vector.broadcast %jit3A_217 : i32 to vector<16xi32>
          %select_n3A_219 = arith.select %and3A_216, %sub3A_209, %broadcast_in_dim3A_218 : vector<16xi1>, vector<16xi32>
          %shift_right_arithmetic3A_220 = arith.constant 9 : i32
          %shift_right_arithmetic3A_221 = vector.broadcast %shift_right_arithmetic3A_220 : i32 to vector<16xi32>
          %shift_right_arithmetic3A_222 = arith.shrsi %select_n3A_219, %shift_right_arithmetic3A_221 : vector<16xi32>
          %and3A_223 = arith.constant 511 : i32
          %and3A_224 = vector.broadcast %and3A_223 : i32 to vector<16xi32>
          %and3A_225 = arith.andi %select_n3A_219, %and3A_224 : vector<16xi32>
          tpu.vector_store_idx %arg7[%shift_right_arithmetic3A_222, %and3A_225], %get3A_207 masked %and3A_216 : memref<80x512xf32, #tpu.memory_space<vmem>>[vector<16xi32>, vector<16xi32>], vector<16xf32>, vector<16xi1>
          %scan3A_226 = arith.constant 4 : i32
          %scan3A_227 = arith.addi %scan3A_109, %scan3A_226 : i32
          %mul3A_228 = arith.constant 1 : i32
          %mul3A_229 = arith.muli %scan3A_227, %mul3A_228 : i32
          %add3A_230 = arith.constant 0 : i32
          %add3A_231 = arith.addi %add3A_230, %mul3A_229 : i32
          %mul3A_232 = arith.constant 16 : i32
          %mul3A_233 = arith.muli %add3A_231, %mul3A_232 : i32
          %get3A_234 = arith.index_cast %mul3A_233 : i32 to index
          %get3A_235 = tpu.vector_load %arg8[%get3A_234] {strides = array<i32>} : memref<8192xi32, #tpu.memory_space<vmem>>, vector<16xi32>,
          %get3A_236 = arith.index_cast %mul3A_233 : i32 to index
          %get3A_237 = tpu.vector_load %arg9[%get3A_236] {strides = array<i32>} : memref<8192xf32, #tpu.memory_space<vmem>>, vector<16xf32>,
          %sub3A_238 = vector.broadcast %mul3A_22 : i32 to vector<16xi32>
          %sub3A_239 = arith.subi %get3A_235, %sub3A_238 : vector<16xi32>
          %ge3A_240 = arith.constant 0 : i32
          %ge3A_241 = vector.broadcast %ge3A_240 : i32 to vector<16xi32>
          %ge3A_242 = arith.cmpi sge, %sub3A_239, %ge3A_241 : vector<16xi32>
          %lt3A_243 = arith.constant 40960 : i32
          %lt3A_244 = vector.broadcast %lt3A_243 : i32 to vector<16xi32>
          %lt3A_245 = arith.cmpi slt, %sub3A_239, %lt3A_244 : vector<16xi32>
          %and3A_246 = arith.andi %ge3A_242, %lt3A_245 : vector<16xi1>
          %jit3A_247 = arith.constant 0 : i32
          %broadcast_in_dim3A_248 = vector.broadcast %jit3A_247 : i32 to vector<16xi32>
          %select_n3A_249 = arith.select %and3A_246, %sub3A_239, %broadcast_in_dim3A_248 : vector<16xi1>, vector<16xi32>
          %shift_right_arithmetic3A_250 = arith.constant 9 : i32
          %shift_right_arithmetic3A_251 = vector.broadcast %shift_right_arithmetic3A_250 : i32 to vector<16xi32>
          %shift_right_arithmetic3A_252 = arith.shrsi %select_n3A_249, %shift_right_arithmetic3A_251 : vector<16xi32>
          %and3A_253 = arith.constant 511 : i32
          %and3A_254 = vector.broadcast %and3A_253 : i32 to vector<16xi32>
          %and3A_255 = arith.andi %select_n3A_249, %and3A_254 : vector<16xi32>
          tpu.vector_store_idx %arg7[%shift_right_arithmetic3A_252, %and3A_255], %get3A_237 masked %and3A_246 : memref<80x512xf32, #tpu.memory_space<vmem>>[vector<16xi32>, vector<16xi32>], vector<16xf32>, vector<16xi1>
          %scan3A_256 = arith.constant 5 : i32
          %scan3A_257 = arith.addi %scan3A_109, %scan3A_256 : i32
          %mul3A_258 = arith.constant 1 : i32
          %mul3A_259 = arith.muli %scan3A_257, %mul3A_258 : i32
          %add3A_260 = arith.constant 0 : i32
          %add3A_261 = arith.addi %add3A_260, %mul3A_259 : i32
          %mul3A_262 = arith.constant 16 : i32
          %mul3A_263 = arith.muli %add3A_261, %mul3A_262 : i32
          %get3A_264 = arith.index_cast %mul3A_263 : i32 to index
          %get3A_265 = tpu.vector_load %arg8[%get3A_264] {strides = array<i32>} : memref<8192xi32, #tpu.memory_space<vmem>>, vector<16xi32>,
          %get3A_266 = arith.index_cast %mul3A_263 : i32 to index
          %get3A_267 = tpu.vector_load %arg9[%get3A_266] {strides = array<i32>} : memref<8192xf32, #tpu.memory_space<vmem>>, vector<16xf32>,
          %sub3A_268 = vector.broadcast %mul3A_22 : i32 to vector<16xi32>
          %sub3A_269 = arith.subi %get3A_265, %sub3A_268 : vector<16xi32>
          %ge3A_270 = arith.constant 0 : i32
          %ge3A_271 = vector.broadcast %ge3A_270 : i32 to vector<16xi32>
          %ge3A_272 = arith.cmpi sge, %sub3A_269, %ge3A_271 : vector<16xi32>
          %lt3A_273 = arith.constant 40960 : i32
          %lt3A_274 = vector.broadcast %lt3A_273 : i32 to vector<16xi32>
          %lt3A_275 = arith.cmpi slt, %sub3A_269, %lt3A_274 : vector<16xi32>
          %and3A_276 = arith.andi %ge3A_272, %lt3A_275 : vector<16xi1>
          %jit3A_277 = arith.constant 0 : i32
          %broadcast_in_dim3A_278 = vector.broadcast %jit3A_277 : i32 to vector<16xi32>
          %select_n3A_279 = arith.select %and3A_276, %sub3A_269, %broadcast_in_dim3A_278 : vector<16xi1>, vector<16xi32>
          %shift_right_arithmetic3A_280 = arith.constant 9 : i32
          %shift_right_arithmetic3A_281 = vector.broadcast %shift_right_arithmetic3A_280 : i32 to vector<16xi32>
          %shift_right_arithmetic3A_282 = arith.shrsi %select_n3A_279, %shift_right_arithmetic3A_281 : vector<16xi32>
          %and3A_283 = arith.constant 511 : i32
          %and3A_284 = vector.broadcast %and3A_283 : i32 to vector<16xi32>
          %and3A_285 = arith.andi %select_n3A_279, %and3A_284 : vector<16xi32>
          tpu.vector_store_idx %arg7[%shift_right_arithmetic3A_282, %and3A_285], %get3A_267 masked %and3A_276 : memref<80x512xf32, #tpu.memory_space<vmem>>[vector<16xi32>, vector<16xi32>], vector<16xf32>, vector<16xi1>
          %scan3A_286 = arith.constant 6 : i32
          %scan3A_287 = arith.addi %scan3A_109, %scan3A_286 : i32
          %mul3A_288 = arith.constant 1 : i32
          %mul3A_289 = arith.muli %scan3A_287, %mul3A_288 : i32
          %add3A_290 = arith.constant 0 : i32
          %add3A_291 = arith.addi %add3A_290, %mul3A_289 : i32
          %mul3A_292 = arith.constant 16 : i32
          %mul3A_293 = arith.muli %add3A_291, %mul3A_292 : i32
          %get3A_294 = arith.index_cast %mul3A_293 : i32 to index
          %get3A_295 = tpu.vector_load %arg8[%get3A_294] {strides = array<i32>} : memref<8192xi32, #tpu.memory_space<vmem>>, vector<16xi32>,
          %get3A_296 = arith.index_cast %mul3A_293 : i32 to index
          %get3A_297 = tpu.vector_load %arg9[%get3A_296] {strides = array<i32>} : memref<8192xf32, #tpu.memory_space<vmem>>, vector<16xf32>,
          %sub3A_298 = vector.broadcast %mul3A_22 : i32 to vector<16xi32>
          %sub3A_299 = arith.subi %get3A_295, %sub3A_298 : vector<16xi32>
          %ge3A_300 = arith.constant 0 : i32
          %ge3A_301 = vector.broadcast %ge3A_300 : i32 to vector<16xi32>
          %ge3A_302 = arith.cmpi sge, %sub3A_299, %ge3A_301 : vector<16xi32>
          %lt3A_303 = arith.constant 40960 : i32
          %lt3A_304 = vector.broadcast %lt3A_303 : i32 to vector<16xi32>
          %lt3A_305 = arith.cmpi slt, %sub3A_299, %lt3A_304 : vector<16xi32>
          %and3A_306 = arith.andi %ge3A_302, %lt3A_305 : vector<16xi1>
          %jit3A_307 = arith.constant 0 : i32
          %broadcast_in_dim3A_308 = vector.broadcast %jit3A_307 : i32 to vector<16xi32>
          %select_n3A_309 = arith.select %and3A_306, %sub3A_299, %broadcast_in_dim3A_308 : vector<16xi1>, vector<16xi32>
          %shift_right_arithmetic3A_310 = arith.constant 9 : i32
          %shift_right_arithmetic3A_311 = vector.broadcast %shift_right_arithmetic3A_310 : i32 to vector<16xi32>
          %shift_right_arithmetic3A_312 = arith.shrsi %select_n3A_309, %shift_right_arithmetic3A_311 : vector<16xi32>
          %and3A_313 = arith.constant 511 : i32
          %and3A_314 = vector.broadcast %and3A_313 : i32 to vector<16xi32>
          %and3A_315 = arith.andi %select_n3A_309, %and3A_314 : vector<16xi32>
          tpu.vector_store_idx %arg7[%shift_right_arithmetic3A_312, %and3A_315], %get3A_297 masked %and3A_306 : memref<80x512xf32, #tpu.memory_space<vmem>>[vector<16xi32>, vector<16xi32>], vector<16xf32>, vector<16xi1>
          %scan3A_316 = arith.constant 7 : i32
          %scan3A_317 = arith.addi %scan3A_109, %scan3A_316 : i32
          %mul3A_318 = arith.constant 1 : i32
          %mul3A_319 = arith.muli %scan3A_317, %mul3A_318 : i32
          %add3A_320 = arith.constant 0 : i32
          %add3A_321 = arith.addi %add3A_320, %mul3A_319 : i32
          %mul3A_322 = arith.constant 16 : i32
          %mul3A_323 = arith.muli %add3A_321, %mul3A_322 : i32
          %get3A_324 = arith.index_cast %mul3A_323 : i32 to index
          %get3A_325 = tpu.vector_load %arg8[%get3A_324] {strides = array<i32>} : memref<8192xi32, #tpu.memory_space<vmem>>, vector<16xi32>,
          %get3A_326 = arith.index_cast %mul3A_323 : i32 to index
          %get3A_327 = tpu.vector_load %arg9[%get3A_326] {strides = array<i32>} : memref<8192xf32, #tpu.memory_space<vmem>>, vector<16xf32>,
          %sub3A_328 = vector.broadcast %mul3A_22 : i32 to vector<16xi32>
          %sub3A_329 = arith.subi %get3A_325, %sub3A_328 : vector<16xi32>
          %ge3A_330 = arith.constant 0 : i32
          %ge3A_331 = vector.broadcast %ge3A_330 : i32 to vector<16xi32>
          %ge3A_332 = arith.cmpi sge, %sub3A_329, %ge3A_331 : vector<16xi32>
          %lt3A_333 = arith.constant 40960 : i32
          %lt3A_334 = vector.broadcast %lt3A_333 : i32 to vector<16xi32>
          %lt3A_335 = arith.cmpi slt, %sub3A_329, %lt3A_334 : vector<16xi32>
          %and3A_336 = arith.andi %ge3A_332, %lt3A_335 : vector<16xi1>
          %jit3A_337 = arith.constant 0 : i32
          %broadcast_in_dim3A_338 = vector.broadcast %jit3A_337 : i32 to vector<16xi32>
          %select_n3A_339 = arith.select %and3A_336, %sub3A_329, %broadcast_in_dim3A_338 : vector<16xi1>, vector<16xi32>
          %shift_right_arithmetic3A_340 = arith.constant 9 : i32
          %shift_right_arithmetic3A_341 = vector.broadcast %shift_right_arithmetic3A_340 : i32 to vector<16xi32>
          %shift_right_arithmetic3A_342 = arith.shrsi %select_n3A_339, %shift_right_arithmetic3A_341 : vector<16xi32>
          %and3A_343 = arith.constant 511 : i32
          %and3A_344 = vector.broadcast %and3A_343 : i32 to vector<16xi32>
          %and3A_345 = arith.andi %select_n3A_339, %and3A_344 : vector<16xi32>
          tpu.vector_store_idx %arg7[%shift_right_arithmetic3A_342, %and3A_345], %get3A_327 masked %and3A_336 : memref<80x512xf32, #tpu.memory_space<vmem>>[vector<16xi32>, vector<16xi32>], vector<16xf32>, vector<16xi1>
        }
        %scan3A_108 = arith.constant 512 : i32
      }
      %while3A_96 = arith.constant 1 : i32
      scf.for %while3A_97 = %while3A_94 to %while3A_90 step %while3A_96  : i32 {
        %mul3A_98 = arith.muli %while3A_97, %while3A_86 : i32
        %add3A_99 = arith.addi %while3A_87, %mul3A_98 : i32
        %mul3A_100 = arith.constant 8192 : i32
        %mul3A_101 = arith.muli %add3A_99, %mul3A_100 : i32
        %add3A_102 = arith.addi %multiple_of3A_53, %mul3A_101 : i32
        %min3A = arith.constant 8380416 : i32
        %min3A_103 = arith.minsi %add3A_102, %min3A : i32
        %multiple_of3A_104 = tpu.assume_multiple %min3A_103, 8 : i32
        "tpu.region"() ({
          %run_scoped3A = tpu.sem_alloc : memref<!tpu.dma_semaphore, #tpu.memory_space<semaphore_mem>>
          %dma_start3A = tpu.memref_slice %arg3[%multiple_of3A_104] : memref<8388608xi32, #tpu.memory_space<hbm>> -> memref<8192xi32, #tpu.memory_space<hbm>>
          %dma_start3A_109 = tpu.memref_slice %arg3[%multiple_of3A_104] : memref<8388608xi32, #tpu.memory_space<hbm>> -> memref<8192xi32, #tpu.memory_space<hbm>>
          tpu.enqueue_dma source(%dma_start3A_109 : memref<8192xi32, #tpu.memory_space<hbm>>) target(%arg8 : memref<8192xi32, #tpu.memory_space<vmem>>) target_semaphore(%run_scoped3A : memref<!tpu.dma_semaphore, #tpu.memory_space<semaphore_mem>>)
          %dma_wait3A = tpu.memref_slice %arg3[%multiple_of3A_104] : memref<8388608xi32, #tpu.memory_space<hbm>> -> memref<8192xi32, #tpu.memory_space<hbm>>
          %dma_wait3A_110 = tpu.memref_slice %arg3[%multiple_of3A_104] : memref<8388608xi32, #tpu.memory_space<hbm>> -> memref<8192xi32, #tpu.memory_space<hbm>>
          tpu.wait_dma2 semaphore(%run_scoped3A : memref<!tpu.dma_semaphore, #tpu.memory_space<semaphore_mem>>) src(%dma_wait3A_110 : memref<8192xi32, #tpu.memory_space<hbm>>) dst(%arg8 : memref<8192xi32, #tpu.memory_space<vmem>>)
          tpu.yield
        }) : () -> ()
        "tpu.region"() ({
          %run_scoped3A = tpu.sem_alloc : memref<!tpu.dma_semaphore, #tpu.memory_space<semaphore_mem>>
          %dma_start3A = tpu.memref_slice %arg4[%multiple_of3A_104] : memref<8388608xf32, #tpu.memory_space<hbm>> -> memref<8192xf32, #tpu.memory_space<hbm>>
          %dma_start3A_109 = tpu.memref_slice %arg4[%multiple_of3A_104] : memref<8388608xf32, #tpu.memory_space<hbm>> -> memref<8192xf32, #tpu.memory_space<hbm>>
          tpu.enqueue_dma source(%dma_start3A_109 : memref<8192xf32, #tpu.memory_space<hbm>>) target(%arg9 : memref<8192xf32, #tpu.memory_space<vmem>>) target_semaphore(%run_scoped3A : memref<!tpu.dma_semaphore, #tpu.memory_space<semaphore_mem>>)
          %dma_wait3A = tpu.memref_slice %arg4[%multiple_of3A_104] : memref<8388608xf32, #tpu.memory_space<hbm>> -> memref<8192xf32, #tpu.memory_space<hbm>>
          %dma_wait3A_110 = tpu.memref_slice %arg4[%multiple_of3A_104] : memref<8388608xf32, #tpu.memory_space<hbm>> -> memref<8192xf32, #tpu.memory_space<hbm>>
          tpu.wait_dma2 semaphore(%run_scoped3A : memref<!tpu.dma_semaphore, #tpu.memory_space<semaphore_mem>>) src(%dma_wait3A_110 : memref<8192xf32, #tpu.memory_space<hbm>>) dst(%arg9 : memref<8192xf32, #tpu.memory_space<vmem>>)
          tpu.yield
        }) : () -> ()
        %scan3A = arith.constant 0 : i32
        %scan3A_105 = arith.constant 512 : i32
        %scan3A_106 = arith.addi %scan3A, %scan3A_105 : i32
        %scan3A_107 = arith.constant 8 : i32
        scf.for %scan3A_109 = %scan3A to %scan3A_106 step %scan3A_107  : i32 {
          %mul3A_110 = arith.constant 1 : i32
          %mul3A_111 = arith.muli %scan3A_109, %mul3A_110 : i32
          %add3A_112 = arith.constant 0 : i32
          %add3A_113 = arith.addi %add3A_112, %mul3A_111 : i32
          %mul3A_114 = arith.constant 16 : i32
          %mul3A_115 = arith.muli %add3A_113, %mul3A_114 : i32
          %get3A_116 = arith.index_cast %mul3A_115 : i32 to index
          %get3A_117 = tpu.vector_load %arg8[%get3A_116] {strides = array<i32>} : memref<8192xi32, #tpu.memory_space<vmem>>, vector<16xi32>,
          %get3A_118 = arith.index_cast %mul3A_115 : i32 to index
          %get3A_119 = tpu.vector_load %arg9[%get3A_118] {strides = array<i32>} : memref<8192xf32, #tpu.memory_space<vmem>>, vector<16xf32>,
          %sub3A_120 = vector.broadcast %mul3A_22 : i32 to vector<16xi32>
          %sub3A_121 = arith.subi %get3A_117, %sub3A_120 : vector<16xi32>
          %ge3A = arith.constant 0 : i32
          %ge3A_122 = vector.broadcast %ge3A : i32 to vector<16xi32>
          %ge3A_123 = arith.cmpi sge, %sub3A_121, %ge3A_122 : vector<16xi32>
          %lt3A = arith.constant 40960 : i32
          %lt3A_124 = vector.broadcast %lt3A : i32 to vector<16xi32>
          %lt3A_125 = arith.cmpi slt, %sub3A_121, %lt3A_124 : vector<16xi32>
          %and3A_126 = arith.andi %ge3A_123, %lt3A_125 : vector<16xi1>
          %jit3A_127 = arith.constant 0 : i32
          %broadcast_in_dim3A_128 = vector.broadcast %jit3A_127 : i32 to vector<16xi32>
          %select_n3A_129 = arith.select %and3A_126, %sub3A_121, %broadcast_in_dim3A_128 : vector<16xi1>, vector<16xi32>
          %shift_right_arithmetic3A_130 = arith.constant 9 : i32
          %shift_right_arithmetic3A_131 = vector.broadcast %shift_right_arithmetic3A_130 : i32 to vector<16xi32>
          %shift_right_arithmetic3A_132 = arith.shrsi %select_n3A_129, %shift_right_arithmetic3A_131 : vector<16xi32>
          %and3A_133 = arith.constant 511 : i32
          %and3A_134 = vector.broadcast %and3A_133 : i32 to vector<16xi32>
          %and3A_135 = arith.andi %select_n3A_129, %and3A_134 : vector<16xi32>
          tpu.vector_store_idx %arg7[%shift_right_arithmetic3A_132, %and3A_135], %get3A_119 masked %and3A_126 : memref<80x512xf32, #tpu.memory_space<vmem>>[vector<16xi32>, vector<16xi32>], vector<16xf32>, vector<16xi1>
          %scan3A_136 = arith.constant 1 : i32
          %scan3A_137 = arith.addi %scan3A_109, %scan3A_136 : i32
          %mul3A_138 = arith.constant 1 : i32
          %mul3A_139 = arith.muli %scan3A_137, %mul3A_138 : i32
          %add3A_140 = arith.constant 0 : i32
          %add3A_141 = arith.addi %add3A_140, %mul3A_139 : i32
          %mul3A_142 = arith.constant 16 : i32
          %mul3A_143 = arith.muli %add3A_141, %mul3A_142 : i32
          %get3A_144 = arith.index_cast %mul3A_143 : i32 to index
          %get3A_145 = tpu.vector_load %arg8[%get3A_144] {strides = array<i32>} : memref<8192xi32, #tpu.memory_space<vmem>>, vector<16xi32>,
          %get3A_146 = arith.index_cast %mul3A_143 : i32 to index
          %get3A_147 = tpu.vector_load %arg9[%get3A_146] {strides = array<i32>} : memref<8192xf32, #tpu.memory_space<vmem>>, vector<16xf32>,
          %sub3A_148 = vector.broadcast %mul3A_22 : i32 to vector<16xi32>
          %sub3A_149 = arith.subi %get3A_145, %sub3A_148 : vector<16xi32>
          %ge3A_150 = arith.constant 0 : i32
          %ge3A_151 = vector.broadcast %ge3A_150 : i32 to vector<16xi32>
          %ge3A_152 = arith.cmpi sge, %sub3A_149, %ge3A_151 : vector<16xi32>
          %lt3A_153 = arith.constant 40960 : i32
          %lt3A_154 = vector.broadcast %lt3A_153 : i32 to vector<16xi32>
          %lt3A_155 = arith.cmpi slt, %sub3A_149, %lt3A_154 : vector<16xi32>
          %and3A_156 = arith.andi %ge3A_152, %lt3A_155 : vector<16xi1>
          %jit3A_157 = arith.constant 0 : i32
          %broadcast_in_dim3A_158 = vector.broadcast %jit3A_157 : i32 to vector<16xi32>
          %select_n3A_159 = arith.select %and3A_156, %sub3A_149, %broadcast_in_dim3A_158 : vector<16xi1>, vector<16xi32>
          %shift_right_arithmetic3A_160 = arith.constant 9 : i32
          %shift_right_arithmetic3A_161 = vector.broadcast %shift_right_arithmetic3A_160 : i32 to vector<16xi32>
          %shift_right_arithmetic3A_162 = arith.shrsi %select_n3A_159, %shift_right_arithmetic3A_161 : vector<16xi32>
          %and3A_163 = arith.constant 511 : i32
          %and3A_164 = vector.broadcast %and3A_163 : i32 to vector<16xi32>
          %and3A_165 = arith.andi %select_n3A_159, %and3A_164 : vector<16xi32>
          tpu.vector_store_idx %arg7[%shift_right_arithmetic3A_162, %and3A_165], %get3A_147 masked %and3A_156 : memref<80x512xf32, #tpu.memory_space<vmem>>[vector<16xi32>, vector<16xi32>], vector<16xf32>, vector<16xi1>
          %scan3A_166 = arith.constant 2 : i32
          %scan3A_167 = arith.addi %scan3A_109, %scan3A_166 : i32
          %mul3A_168 = arith.constant 1 : i32
          %mul3A_169 = arith.muli %scan3A_167, %mul3A_168 : i32
          %add3A_170 = arith.constant 0 : i32
          %add3A_171 = arith.addi %add3A_170, %mul3A_169 : i32
          %mul3A_172 = arith.constant 16 : i32
          %mul3A_173 = arith.muli %add3A_171, %mul3A_172 : i32
          %get3A_174 = arith.index_cast %mul3A_173 : i32 to index
          %get3A_175 = tpu.vector_load %arg8[%get3A_174] {strides = array<i32>} : memref<8192xi32, #tpu.memory_space<vmem>>, vector<16xi32>,
          %get3A_176 = arith.index_cast %mul3A_173 : i32 to index
          %get3A_177 = tpu.vector_load %arg9[%get3A_176] {strides = array<i32>} : memref<8192xf32, #tpu.memory_space<vmem>>, vector<16xf32>,
          %sub3A_178 = vector.broadcast %mul3A_22 : i32 to vector<16xi32>
          %sub3A_179 = arith.subi %get3A_175, %sub3A_178 : vector<16xi32>
          %ge3A_180 = arith.constant 0 : i32
          %ge3A_181 = vector.broadcast %ge3A_180 : i32 to vector<16xi32>
          %ge3A_182 = arith.cmpi sge, %sub3A_179, %ge3A_181 : vector<16xi32>
          %lt3A_183 = arith.constant 40960 : i32
          %lt3A_184 = vector.broadcast %lt3A_183 : i32 to vector<16xi32>
          %lt3A_185 = arith.cmpi slt, %sub3A_179, %lt3A_184 : vector<16xi32>
          %and3A_186 = arith.andi %ge3A_182, %lt3A_185 : vector<16xi1>
          %jit3A_187 = arith.constant 0 : i32
          %broadcast_in_dim3A_188 = vector.broadcast %jit3A_187 : i32 to vector<16xi32>
          %select_n3A_189 = arith.select %and3A_186, %sub3A_179, %broadcast_in_dim3A_188 : vector<16xi1>, vector<16xi32>
          %shift_right_arithmetic3A_190 = arith.constant 9 : i32
          %shift_right_arithmetic3A_191 = vector.broadcast %shift_right_arithmetic3A_190 : i32 to vector<16xi32>
          %shift_right_arithmetic3A_192 = arith.shrsi %select_n3A_189, %shift_right_arithmetic3A_191 : vector<16xi32>
          %and3A_193 = arith.constant 511 : i32
          %and3A_194 = vector.broadcast %and3A_193 : i32 to vector<16xi32>
          %and3A_195 = arith.andi %select_n3A_189, %and3A_194 : vector<16xi32>
          tpu.vector_store_idx %arg7[%shift_right_arithmetic3A_192, %and3A_195], %get3A_177 masked %and3A_186 : memref<80x512xf32, #tpu.memory_space<vmem>>[vector<16xi32>, vector<16xi32>], vector<16xf32>, vector<16xi1>
          %scan3A_196 = arith.constant 3 : i32
          %scan3A_197 = arith.addi %scan3A_109, %scan3A_196 : i32
          %mul3A_198 = arith.constant 1 : i32
          %mul3A_199 = arith.muli %scan3A_197, %mul3A_198 : i32
          %add3A_200 = arith.constant 0 : i32
          %add3A_201 = arith.addi %add3A_200, %mul3A_199 : i32
          %mul3A_202 = arith.constant 16 : i32
          %mul3A_203 = arith.muli %add3A_201, %mul3A_202 : i32
          %get3A_204 = arith.index_cast %mul3A_203 : i32 to index
          %get3A_205 = tpu.vector_load %arg8[%get3A_204] {strides = array<i32>} : memref<8192xi32, #tpu.memory_space<vmem>>, vector<16xi32>,
          %get3A_206 = arith.index_cast %mul3A_203 : i32 to index
          %get3A_207 = tpu.vector_load %arg9[%get3A_206] {strides = array<i32>} : memref<8192xf32, #tpu.memory_space<vmem>>, vector<16xf32>,
          %sub3A_208 = vector.broadcast %mul3A_22 : i32 to vector<16xi32>
          %sub3A_209 = arith.subi %get3A_205, %sub3A_208 : vector<16xi32>
          %ge3A_210 = arith.constant 0 : i32
          %ge3A_211 = vector.broadcast %ge3A_210 : i32 to vector<16xi32>
          %ge3A_212 = arith.cmpi sge, %sub3A_209, %ge3A_211 : vector<16xi32>
          %lt3A_213 = arith.constant 40960 : i32
          %lt3A_214 = vector.broadcast %lt3A_213 : i32 to vector<16xi32>
          %lt3A_215 = arith.cmpi slt, %sub3A_209, %lt3A_214 : vector<16xi32>
          %and3A_216 = arith.andi %ge3A_212, %lt3A_215 : vector<16xi1>
          %jit3A_217 = arith.constant 0 : i32
          %broadcast_in_dim3A_218 = vector.broadcast %jit3A_217 : i32 to vector<16xi32>
          %select_n3A_219 = arith.select %and3A_216, %sub3A_209, %broadcast_in_dim3A_218 : vector<16xi1>, vector<16xi32>
          %shift_right_arithmetic3A_220 = arith.constant 9 : i32
          %shift_right_arithmetic3A_221 = vector.broadcast %shift_right_arithmetic3A_220 : i32 to vector<16xi32>
          %shift_right_arithmetic3A_222 = arith.shrsi %select_n3A_219, %shift_right_arithmetic3A_221 : vector<16xi32>
          %and3A_223 = arith.constant 511 : i32
          %and3A_224 = vector.broadcast %and3A_223 : i32 to vector<16xi32>
          %and3A_225 = arith.andi %select_n3A_219, %and3A_224 : vector<16xi32>
          tpu.vector_store_idx %arg7[%shift_right_arithmetic3A_222, %and3A_225], %get3A_207 masked %and3A_216 : memref<80x512xf32, #tpu.memory_space<vmem>>[vector<16xi32>, vector<16xi32>], vector<16xf32>, vector<16xi1>
          %scan3A_226 = arith.constant 4 : i32
          %scan3A_227 = arith.addi %scan3A_109, %scan3A_226 : i32
          %mul3A_228 = arith.constant 1 : i32
          %mul3A_229 = arith.muli %scan3A_227, %mul3A_228 : i32
          %add3A_230 = arith.constant 0 : i32
          %add3A_231 = arith.addi %add3A_230, %mul3A_229 : i32
          %mul3A_232 = arith.constant 16 : i32
          %mul3A_233 = arith.muli %add3A_231, %mul3A_232 : i32
          %get3A_234 = arith.index_cast %mul3A_233 : i32 to index
          %get3A_235 = tpu.vector_load %arg8[%get3A_234] {strides = array<i32>} : memref<8192xi32, #tpu.memory_space<vmem>>, vector<16xi32>,
          %get3A_236 = arith.index_cast %mul3A_233 : i32 to index
          %get3A_237 = tpu.vector_load %arg9[%get3A_236] {strides = array<i32>} : memref<8192xf32, #tpu.memory_space<vmem>>, vector<16xf32>,
          %sub3A_238 = vector.broadcast %mul3A_22 : i32 to vector<16xi32>
          %sub3A_239 = arith.subi %get3A_235, %sub3A_238 : vector<16xi32>
          %ge3A_240 = arith.constant 0 : i32
          %ge3A_241 = vector.broadcast %ge3A_240 : i32 to vector<16xi32>
          %ge3A_242 = arith.cmpi sge, %sub3A_239, %ge3A_241 : vector<16xi32>
          %lt3A_243 = arith.constant 40960 : i32
          %lt3A_244 = vector.broadcast %lt3A_243 : i32 to vector<16xi32>
          %lt3A_245 = arith.cmpi slt, %sub3A_239, %lt3A_244 : vector<16xi32>
          %and3A_246 = arith.andi %ge3A_242, %lt3A_245 : vector<16xi1>
          %jit3A_247 = arith.constant 0 : i32
          %broadcast_in_dim3A_248 = vector.broadcast %jit3A_247 : i32 to vector<16xi32>
          %select_n3A_249 = arith.select %and3A_246, %sub3A_239, %broadcast_in_dim3A_248 : vector<16xi1>, vector<16xi32>
          %shift_right_arithmetic3A_250 = arith.constant 9 : i32
          %shift_right_arithmetic3A_251 = vector.broadcast %shift_right_arithmetic3A_250 : i32 to vector<16xi32>
          %shift_right_arithmetic3A_252 = arith.shrsi %select_n3A_249, %shift_right_arithmetic3A_251 : vector<16xi32>
          %and3A_253 = arith.constant 511 : i32
          %and3A_254 = vector.broadcast %and3A_253 : i32 to vector<16xi32>
          %and3A_255 = arith.andi %select_n3A_249, %and3A_254 : vector<16xi32>
          tpu.vector_store_idx %arg7[%shift_right_arithmetic3A_252, %and3A_255], %get3A_237 masked %and3A_246 : memref<80x512xf32, #tpu.memory_space<vmem>>[vector<16xi32>, vector<16xi32>], vector<16xf32>, vector<16xi1>
          %scan3A_256 = arith.constant 5 : i32
          %scan3A_257 = arith.addi %scan3A_109, %scan3A_256 : i32
          %mul3A_258 = arith.constant 1 : i32
          %mul3A_259 = arith.muli %scan3A_257, %mul3A_258 : i32
          %add3A_260 = arith.constant 0 : i32
          %add3A_261 = arith.addi %add3A_260, %mul3A_259 : i32
          %mul3A_262 = arith.constant 16 : i32
          %mul3A_263 = arith.muli %add3A_261, %mul3A_262 : i32
          %get3A_264 = arith.index_cast %mul3A_263 : i32 to index
          %get3A_265 = tpu.vector_load %arg8[%get3A_264] {strides = array<i32>} : memref<8192xi32, #tpu.memory_space<vmem>>, vector<16xi32>,
          %get3A_266 = arith.index_cast %mul3A_263 : i32 to index
          %get3A_267 = tpu.vector_load %arg9[%get3A_266] {strides = array<i32>} : memref<8192xf32, #tpu.memory_space<vmem>>, vector<16xf32>,
          %sub3A_268 = vector.broadcast %mul3A_22 : i32 to vector<16xi32>
          %sub3A_269 = arith.subi %get3A_265, %sub3A_268 : vector<16xi32>
          %ge3A_270 = arith.constant 0 : i32
          %ge3A_271 = vector.broadcast %ge3A_270 : i32 to vector<16xi32>
          %ge3A_272 = arith.cmpi sge, %sub3A_269, %ge3A_271 : vector<16xi32>
          %lt3A_273 = arith.constant 40960 : i32
          %lt3A_274 = vector.broadcast %lt3A_273 : i32 to vector<16xi32>
          %lt3A_275 = arith.cmpi slt, %sub3A_269, %lt3A_274 : vector<16xi32>
          %and3A_276 = arith.andi %ge3A_272, %lt3A_275 : vector<16xi1>
          %jit3A_277 = arith.constant 0 : i32
          %broadcast_in_dim3A_278 = vector.broadcast %jit3A_277 : i32 to vector<16xi32>
          %select_n3A_279 = arith.select %and3A_276, %sub3A_269, %broadcast_in_dim3A_278 : vector<16xi1>, vector<16xi32>
          %shift_right_arithmetic3A_280 = arith.constant 9 : i32
          %shift_right_arithmetic3A_281 = vector.broadcast %shift_right_arithmetic3A_280 : i32 to vector<16xi32>
          %shift_right_arithmetic3A_282 = arith.shrsi %select_n3A_279, %shift_right_arithmetic3A_281 : vector<16xi32>
          %and3A_283 = arith.constant 511 : i32
          %and3A_284 = vector.broadcast %and3A_283 : i32 to vector<16xi32>
          %and3A_285 = arith.andi %select_n3A_279, %and3A_284 : vector<16xi32>
          tpu.vector_store_idx %arg7[%shift_right_arithmetic3A_282, %and3A_285], %get3A_267 masked %and3A_276 : memref<80x512xf32, #tpu.memory_space<vmem>>[vector<16xi32>, vector<16xi32>], vector<16xf32>, vector<16xi1>
          %scan3A_286 = arith.constant 6 : i32
          %scan3A_287 = arith.addi %scan3A_109, %scan3A_286 : i32
          %mul3A_288 = arith.constant 1 : i32
          %mul3A_289 = arith.muli %scan3A_287, %mul3A_288 : i32
          %add3A_290 = arith.constant 0 : i32
          %add3A_291 = arith.addi %add3A_290, %mul3A_289 : i32
          %mul3A_292 = arith.constant 16 : i32
          %mul3A_293 = arith.muli %add3A_291, %mul3A_292 : i32
          %get3A_294 = arith.index_cast %mul3A_293 : i32 to index
          %get3A_295 = tpu.vector_load %arg8[%get3A_294] {strides = array<i32>} : memref<8192xi32, #tpu.memory_space<vmem>>, vector<16xi32>,
          %get3A_296 = arith.index_cast %mul3A_293 : i32 to index
          %get3A_297 = tpu.vector_load %arg9[%get3A_296] {strides = array<i32>} : memref<8192xf32, #tpu.memory_space<vmem>>, vector<16xf32>,
          %sub3A_298 = vector.broadcast %mul3A_22 : i32 to vector<16xi32>
          %sub3A_299 = arith.subi %get3A_295, %sub3A_298 : vector<16xi32>
          %ge3A_300 = arith.constant 0 : i32
          %ge3A_301 = vector.broadcast %ge3A_300 : i32 to vector<16xi32>
          %ge3A_302 = arith.cmpi sge, %sub3A_299, %ge3A_301 : vector<16xi32>
          %lt3A_303 = arith.constant 40960 : i32
          %lt3A_304 = vector.broadcast %lt3A_303 : i32 to vector<16xi32>
          %lt3A_305 = arith.cmpi slt, %sub3A_299, %lt3A_304 : vector<16xi32>
          %and3A_306 = arith.andi %ge3A_302, %lt3A_305 : vector<16xi1>
          %jit3A_307 = arith.constant 0 : i32
          %broadcast_in_dim3A_308 = vector.broadcast %jit3A_307 : i32 to vector<16xi32>
          %select_n3A_309 = arith.select %and3A_306, %sub3A_299, %broadcast_in_dim3A_308 : vector<16xi1>, vector<16xi32>
          %shift_right_arithmetic3A_310 = arith.constant 9 : i32
          %shift_right_arithmetic3A_311 = vector.broadcast %shift_right_arithmetic3A_310 : i32 to vector<16xi32>
          %shift_right_arithmetic3A_312 = arith.shrsi %select_n3A_309, %shift_right_arithmetic3A_311 : vector<16xi32>
          %and3A_313 = arith.constant 511 : i32
          %and3A_314 = vector.broadcast %and3A_313 : i32 to vector<16xi32>
          %and3A_315 = arith.andi %select_n3A_309, %and3A_314 : vector<16xi32>
          tpu.vector_store_idx %arg7[%shift_right_arithmetic3A_312, %and3A_315], %get3A_297 masked %and3A_306 : memref<80x512xf32, #tpu.memory_space<vmem>>[vector<16xi32>, vector<16xi32>], vector<16xf32>, vector<16xi1>
          %scan3A_316 = arith.constant 7 : i32
          %scan3A_317 = arith.addi %scan3A_109, %scan3A_316 : i32
          %mul3A_318 = arith.constant 1 : i32
          %mul3A_319 = arith.muli %scan3A_317, %mul3A_318 : i32
          %add3A_320 = arith.constant 0 : i32
          %add3A_321 = arith.addi %add3A_320, %mul3A_319 : i32
          %mul3A_322 = arith.constant 16 : i32
          %mul3A_323 = arith.muli %add3A_321, %mul3A_322 : i32
          %get3A_324 = arith.index_cast %mul3A_323 : i32 to index
          %get3A_325 = tpu.vector_load %arg8[%get3A_324] {strides = array<i32>} : memref<8192xi32, #tpu.memory_space<vmem>>, vector<16xi32>,
          %get3A_326 = arith.index_cast %mul3A_323 : i32 to index
          %get3A_327 = tpu.vector_load %arg9[%get3A_326] {strides = array<i32>} : memref<8192xf32, #tpu.memory_space<vmem>>, vector<16xf32>,
          %sub3A_328 = vector.broadcast %mul3A_22 : i32 to vector<16xi32>
          %sub3A_329 = arith.subi %get3A_325, %sub3A_328 : vector<16xi32>
          %ge3A_330 = arith.constant 0 : i32
          %ge3A_331 = vector.broadcast %ge3A_330 : i32 to vector<16xi32>
          %ge3A_332 = arith.cmpi sge, %sub3A_329, %ge3A_331 : vector<16xi32>
          %lt3A_333 = arith.constant 40960 : i32
          %lt3A_334 = vector.broadcast %lt3A_333 : i32 to vector<16xi32>
          %lt3A_335 = arith.cmpi slt, %sub3A_329, %lt3A_334 : vector<16xi32>
          %and3A_336 = arith.andi %ge3A_332, %lt3A_335 : vector<16xi1>
          %jit3A_337 = arith.constant 0 : i32
          %broadcast_in_dim3A_338 = vector.broadcast %jit3A_337 : i32 to vector<16xi32>
          %select_n3A_339 = arith.select %and3A_336, %sub3A_329, %broadcast_in_dim3A_338 : vector<16xi1>, vector<16xi32>
          %shift_right_arithmetic3A_340 = arith.constant 9 : i32
          %shift_right_arithmetic3A_341 = vector.broadcast %shift_right_arithmetic3A_340 : i32 to vector<16xi32>
          %shift_right_arithmetic3A_342 = arith.shrsi %select_n3A_339, %shift_right_arithmetic3A_341 : vector<16xi32>
          %and3A_343 = arith.constant 511 : i32
          %and3A_344 = vector.broadcast %and3A_343 : i32 to vector<16xi32>
          %and3A_345 = arith.andi %select_n3A_339, %and3A_344 : vector<16xi32>
          tpu.vector_store_idx %arg7[%shift_right_arithmetic3A_342, %and3A_345], %get3A_327 masked %and3A_336 : memref<80x512xf32, #tpu.memory_space<vmem>>[vector<16xi32>, vector<16xi32>], vector<16xf32>, vector<16xi1>
        }
        %scan3A_108 = arith.constant 512 : i32
      }
      "tpu.region"() ({
        %run_scoped3A = tpu.sem_alloc : memref<!tpu.dma_semaphore, #tpu.memory_space<semaphore_mem>>
        %dma_start3A = arith.constant 0 : i32
        %dma_start3A_97 = tpu.memref_slice %arg6[%mul3A_20, %dma_start3A] : memref<100000x512xf32, #tpu.memory_space<hbm>> -> memref<80x512xf32, #tpu.memory_space<hbm>>
        %dma_start3A_98 = arith.constant 0 : i32
        %dma_start3A_99 = tpu.memref_slice %arg6[%mul3A_20, %dma_start3A_98] : memref<100000x512xf32, #tpu.memory_space<hbm>> -> memref<80x512xf32, #tpu.memory_space<hbm>>
        tpu.enqueue_dma source(%arg7 : memref<80x512xf32, #tpu.memory_space<vmem>>) target(%dma_start3A_99 : memref<80x512xf32, #tpu.memory_space<hbm>>) target_semaphore(%run_scoped3A : memref<!tpu.dma_semaphore, #tpu.memory_space<semaphore_mem>>)
        %dma_wait3A = arith.constant 0 : i32
        %dma_wait3A_100 = tpu.memref_slice %arg6[%mul3A_20, %dma_wait3A] : memref<100000x512xf32, #tpu.memory_space<hbm>> -> memref<80x512xf32, #tpu.memory_space<hbm>>
        %dma_wait3A_101 = arith.constant 0 : i32
        %dma_wait3A_102 = tpu.memref_slice %arg6[%mul3A_20, %dma_wait3A_101] : memref<100000x512xf32, #tpu.memory_space<hbm>> -> memref<80x512xf32, #tpu.memory_space<hbm>>
        tpu.wait_dma2 semaphore(%run_scoped3A : memref<!tpu.dma_semaphore, #tpu.memory_space<semaphore_mem>>) src(%arg7 : memref<80x512xf32, #tpu.memory_space<vmem>>) dst(%dma_wait3A_102 : memref<80x512xf32, #tpu.memory_space<hbm>>)
        tpu.yield
      }) : () -> ()
    }
    %while3A_15 = arith.constant 1 : i32
    scf.for %while3A_16 = %while3A_13 to %while3A_9 step %while3A_15  : i32 {
      %mul3A_17 = arith.muli %while3A_16, %while3A : i32
      %add3A_18 = arith.addi %add3A, %mul3A_17 : i32
      %mul3A_19 = arith.constant 80 : i32
      %mul3A_20 = arith.muli %add3A_18, %mul3A_19 : i32
      %mul3A_21 = arith.constant 40960 : i32
      %mul3A_22 = arith.muli %add3A_18, %mul3A_21 : i32
      "tpu.region"() ({
        %run_scoped3A = tpu.sem_alloc : memref<!tpu.dma_semaphore, #tpu.memory_space<semaphore_mem>>
        %dma_start3A = arith.constant 0 : i32
        %dma_start3A_97 = tpu.memref_slice %arg2[%mul3A_20, %dma_start3A] : memref<100000x512xf32, #tpu.memory_space<hbm>> -> memref<80x512xf32, #tpu.memory_space<hbm>>
        %dma_start3A_98 = arith.constant 0 : i32
        %dma_start3A_99 = tpu.memref_slice %arg2[%mul3A_20, %dma_start3A_98] : memref<100000x512xf32, #tpu.memory_space<hbm>> -> memref<80x512xf32, #tpu.memory_space<hbm>>
        tpu.enqueue_dma source(%dma_start3A_99 : memref<80x512xf32, #tpu.memory_space<hbm>>) target(%arg7 : memref<80x512xf32, #tpu.memory_space<vmem>>) target_semaphore(%run_scoped3A : memref<!tpu.dma_semaphore, #tpu.memory_space<semaphore_mem>>)
        %dma_wait3A = arith.constant 0 : i32
        %dma_wait3A_100 = tpu.memref_slice %arg2[%mul3A_20, %dma_wait3A] : memref<100000x512xf32, #tpu.memory_space<hbm>> -> memref<80x512xf32, #tpu.memory_space<hbm>>
        %dma_wait3A_101 = arith.constant 0 : i32
        %dma_wait3A_102 = tpu.memref_slice %arg2[%mul3A_20, %dma_wait3A_101] : memref<100000x512xf32, #tpu.memory_space<hbm>> -> memref<80x512xf32, #tpu.memory_space<hbm>>
        tpu.wait_dma2 semaphore(%run_scoped3A : memref<!tpu.dma_semaphore, #tpu.memory_space<semaphore_mem>>) src(%dma_wait3A_102 : memref<80x512xf32, #tpu.memory_space<hbm>>) dst(%arg7 : memref<80x512xf32, #tpu.memory_space<vmem>>)
        tpu.yield
      }) : () -> ()
      %shift_right_arithmetic3A = arith.constant 3 : i32
      %shift_right_arithmetic3A_23 = arith.shrsi %add3A_18, %shift_right_arithmetic3A : i32
      %shift_left3A = arith.constant 3 : i32
      %shift_left3A_24 = arith.shli %shift_right_arithmetic3A_23, %shift_left3A : i32
      %multiple_of3A = tpu.assume_multiple %shift_left3A_24, 8 : i32
      %sub3A_25 = arith.subi %add3A_18, %multiple_of3A : i32
      %get3A = arith.index_cast %multiple_of3A : i32 to index
      %get3A_26 = tpu.vector_load %arg10[%get3A] {strides = array<i32>} : memref<1272xi32, #tpu.memory_space<vmem>>, vector<16xi32>,
      %broadcast_in_dim3A = arith.constant -2147483648 : i32
      %broadcast_in_dim3A_27 = vector.broadcast %broadcast_in_dim3A : i32 to vector<16xi32>
      %eq3A = vector.broadcast %sub3A_25 : i32 to vector<16xi32>
      %eq3A_28 = arith.cmpi eq, %iota3A, %eq3A : vector<16xi32>
      %select_n3A = arith.select %eq3A_28, %get3A_26, %broadcast_in_dim3A_27 : vector<16xi1>, vector<16xi32>
      %reduce_max3A = arith.constant true
      %reduce_max3A_29 = vector.broadcast %reduce_max3A : i1 to vector<16xi1>
      %reduce_max3A_30 = arith.constant -2147483648 : i32
      %reduce_max3A_31 = vector.broadcast %reduce_max3A_30 : i32 to vector<16xi32>
      %reduce_max3A_32 = arith.xori %select_n3A, %reduce_max3A_31 : vector<16xi32>
      %reduce_max3A_33 = tpu.scan <max>, %reduce_max3A_32 masked %reduce_max3A_29 : vector<16xi32>, vector<16xi1> -> vector<16xi32>
      %reduce_max3A_34 = arith.xori %reduce_max3A_33, %reduce_max3A_31 : vector<16xi32>
      %reduce_max3A_35 = vector.extract %reduce_max3A_34[15] : i32 from vector<16xi32>
      %add3A_36 = arith.constant 1 : i32
      %add3A_37 = arith.addi %sub3A_25, %add3A_36 : i32
      %eq3A_38 = vector.broadcast %add3A_37 : i32 to vector<16xi32>
      %eq3A_39 = arith.cmpi eq, %iota3A, %eq3A_38 : vector<16xi32>
      %select_n3A_40 = arith.select %eq3A_39, %get3A_26, %broadcast_in_dim3A_27 : vector<16xi1>, vector<16xi32>
      %reduce_max3A_41 = arith.constant true
      %reduce_max3A_42 = vector.broadcast %reduce_max3A_41 : i1 to vector<16xi1>
      %reduce_max3A_43 = arith.constant -2147483648 : i32
      %reduce_max3A_44 = vector.broadcast %reduce_max3A_43 : i32 to vector<16xi32>
      %reduce_max3A_45 = arith.xori %select_n3A_40, %reduce_max3A_44 : vector<16xi32>
      %reduce_max3A_46 = tpu.scan <max>, %reduce_max3A_45 masked %reduce_max3A_42 : vector<16xi32>, vector<16xi1> -> vector<16xi32>
      %reduce_max3A_47 = arith.xori %reduce_max3A_46, %reduce_max3A_44 : vector<16xi32>
      %reduce_max3A_48 = vector.extract %reduce_max3A_47[15] : i32 from vector<16xi32>
      %shift_right_arithmetic3A_49 = arith.constant 3 : i32
      %shift_right_arithmetic3A_50 = arith.shrsi %reduce_max3A_35, %shift_right_arithmetic3A_49 : i32
      %shift_left3A_51 = arith.constant 3 : i32
      %shift_left3A_52 = arith.shli %shift_right_arithmetic3A_50, %shift_left3A_51 : i32
      %multiple_of3A_53 = tpu.assume_multiple %shift_left3A_52, 8 : i32
      %sub3A_54 = arith.subi %reduce_max3A_48, %multiple_of3A_53 : i32
      %add3A_55 = arith.constant 8192 : i32
      %add3A_56 = arith.addi %sub3A_54, %add3A_55 : i32
      %sub3A_57 = arith.constant 1 : i32
      %sub3A_58 = arith.subi %add3A_56, %sub3A_57 : i32
      %jit3A = arith.constant 8192 : i32
      %div3A_59 = arith.divsi %sub3A_58, %jit3A : i32
      %sign3A = arith.constant 0 : i32
      %sign3A_60 = arith.cmpi sgt, %sub3A_58, %sign3A : i32
      %sign3A_61 = arith.extui %sign3A_60 : i1 to i32
      %sign3A_62 = arith.constant 0 : i32
      %sign3A_63 = arith.cmpi slt, %sub3A_58, %sign3A_62 : i32
      %sign3A_64 = arith.extui %sign3A_63 : i1 to i32
      %sign3A_65 = arith.subi %sign3A_61, %sign3A_64 : i32
      %sign3A_66 = arith.constant 0 : i32
      %sign3A_67 = arith.cmpi sgt, %jit3A, %sign3A_66 : i32
      %sign3A_68 = arith.extui %sign3A_67 : i1 to i32
      %sign3A_69 = arith.constant 0 : i32
      %sign3A_70 = arith.cmpi slt, %jit3A, %sign3A_69 : i32
      %sign3A_71 = arith.extui %sign3A_70 : i1 to i32
      %sign3A_72 = arith.subi %sign3A_68, %sign3A_71 : i32
      %ne3A = arith.cmpi ne, %sign3A_65, %sign3A_72 : i32
      %rem3A = arith.remsi %sub3A_58, %jit3A : i32
      %ne3A_73 = arith.constant 0 : i32
      %ne3A_74 = arith.cmpi ne, %rem3A, %ne3A_73 : i32
      %and3A = arith.andi %ne3A, %ne3A_74 : i1
      %sub3A_75 = arith.constant 1 : i32
      %sub3A_76 = arith.subi %div3A_59, %sub3A_75 : i32
      %select_n3A_77 = arith.select %and3A, %sub3A_76, %div3A_59 : i32
      %sub3A_78 = arith.constant 0 : i32
      %sub3A_79 = arith.subi %select_n3A_77, %sub3A_78 : i32
      %sub3A_80 = arith.constant 1 : i32
      %sub3A_81 = arith.constant 1 : i32
      %sub3A_82 = arith.subi %sub3A_80, %sub3A_81 : i32
      %add3A_83 = arith.addi %sub3A_79, %sub3A_82 : i32
      %div3A_84 = arith.constant 1 : i32
      %div3A_85 = arith.divsi %add3A_83, %div3A_84 : i32
      %while3A_86 = arith.constant 1 : i32
      %while3A_87 = arith.constant 0 : i32
      %while3A_88 = arith.constant 0 : i32
      %while3A_89 = arith.subi %div3A_85, %while3A_88 : i32
      %while3A_90 = arith.addi %while3A_88, %while3A_89 : i32
      %while3A_91 = arith.constant 1 : i32
      %while3A_92 = arith.divsi %while3A_89, %while3A_91 : i32
      %while3A_93 = arith.muli %while3A_92, %while3A_91 : i32
      %while3A_94 = arith.addi %while3A_88, %while3A_93 : i32
      %while3A_95 = arith.constant 1 : i32
      scf.for %while3A_97 = %while3A_88 to %while3A_94 step %while3A_95  : i32 {
        %mul3A_98 = arith.muli %while3A_97, %while3A_86 : i32
        %add3A_99 = arith.addi %while3A_87, %mul3A_98 : i32
        %mul3A_100 = arith.constant 8192 : i32
        %mul3A_101 = arith.muli %add3A_99, %mul3A_100 : i32
        %add3A_102 = arith.addi %multiple_of3A_53, %mul3A_101 : i32
        %min3A = arith.constant 8380416 : i32
        %min3A_103 = arith.minsi %add3A_102, %min3A : i32
        %multiple_of3A_104 = tpu.assume_multiple %min3A_103, 8 : i32
        "tpu.region"() ({
          %run_scoped3A = tpu.sem_alloc : memref<!tpu.dma_semaphore, #tpu.memory_space<semaphore_mem>>
          %dma_start3A = tpu.memref_slice %arg3[%multiple_of3A_104] : memref<8388608xi32, #tpu.memory_space<hbm>> -> memref<8192xi32, #tpu.memory_space<hbm>>
          %dma_start3A_109 = tpu.memref_slice %arg3[%multiple_of3A_104] : memref<8388608xi32, #tpu.memory_space<hbm>> -> memref<8192xi32, #tpu.memory_space<hbm>>
          tpu.enqueue_dma source(%dma_start3A_109 : memref<8192xi32, #tpu.memory_space<hbm>>) target(%arg8 : memref<8192xi32, #tpu.memory_space<vmem>>) target_semaphore(%run_scoped3A : memref<!tpu.dma_semaphore, #tpu.memory_space<semaphore_mem>>)
          %dma_wait3A = tpu.memref_slice %arg3[%multiple_of3A_104] : memref<8388608xi32, #tpu.memory_space<hbm>> -> memref<8192xi32, #tpu.memory_space<hbm>>
          %dma_wait3A_110 = tpu.memref_slice %arg3[%multiple_of3A_104] : memref<8388608xi32, #tpu.memory_space<hbm>> -> memref<8192xi32, #tpu.memory_space<hbm>>
          tpu.wait_dma2 semaphore(%run_scoped3A : memref<!tpu.dma_semaphore, #tpu.memory_space<semaphore_mem>>) src(%dma_wait3A_110 : memref<8192xi32, #tpu.memory_space<hbm>>) dst(%arg8 : memref<8192xi32, #tpu.memory_space<vmem>>)
          tpu.yield
        }) : () -> ()
        "tpu.region"() ({
          %run_scoped3A = tpu.sem_alloc : memref<!tpu.dma_semaphore, #tpu.memory_space<semaphore_mem>>
          %dma_start3A = tpu.memref_slice %arg4[%multiple_of3A_104] : memref<8388608xf32, #tpu.memory_space<hbm>> -> memref<8192xf32, #tpu.memory_space<hbm>>
          %dma_start3A_109 = tpu.memref_slice %arg4[%multiple_of3A_104] : memref<8388608xf32, #tpu.memory_space<hbm>> -> memref<8192xf32, #tpu.memory_space<hbm>>
          tpu.enqueue_dma source(%dma_start3A_109 : memref<8192xf32, #tpu.memory_space<hbm>>) target(%arg9 : memref<8192xf32, #tpu.memory_space<vmem>>) target_semaphore(%run_scoped3A : memref<!tpu.dma_semaphore, #tpu.memory_space<semaphore_mem>>)
          %dma_wait3A = tpu.memref_slice %arg4[%multiple_of3A_104] : memref<8388608xf32, #tpu.memory_space<hbm>> -> memref<8192xf32, #tpu.memory_space<hbm>>
          %dma_wait3A_110 = tpu.memref_slice %arg4[%multiple_of3A_104] : memref<8388608xf32, #tpu.memory_space<hbm>> -> memref<8192xf32, #tpu.memory_space<hbm>>
          tpu.wait_dma2 semaphore(%run_scoped3A : memref<!tpu.dma_semaphore, #tpu.memory_space<semaphore_mem>>) src(%dma_wait3A_110 : memref<8192xf32, #tpu.memory_space<hbm>>) dst(%arg9 : memref<8192xf32, #tpu.memory_space<vmem>>)
          tpu.yield
        }) : () -> ()
        %scan3A = arith.constant 0 : i32
        %scan3A_105 = arith.constant 512 : i32
        %scan3A_106 = arith.addi %scan3A, %scan3A_105 : i32
        %scan3A_107 = arith.constant 8 : i32
        scf.for %scan3A_109 = %scan3A to %scan3A_106 step %scan3A_107  : i32 {
          %mul3A_110 = arith.constant 1 : i32
          %mul3A_111 = arith.muli %scan3A_109, %mul3A_110 : i32
          %add3A_112 = arith.constant 0 : i32
          %add3A_113 = arith.addi %add3A_112, %mul3A_111 : i32
          %mul3A_114 = arith.constant 16 : i32
          %mul3A_115 = arith.muli %add3A_113, %mul3A_114 : i32
          %get3A_116 = arith.index_cast %mul3A_115 : i32 to index
          %get3A_117 = tpu.vector_load %arg8[%get3A_116] {strides = array<i32>} : memref<8192xi32, #tpu.memory_space<vmem>>, vector<16xi32>,
          %get3A_118 = arith.index_cast %mul3A_115 : i32 to index
          %get3A_119 = tpu.vector_load %arg9[%get3A_118] {strides = array<i32>} : memref<8192xf32, #tpu.memory_space<vmem>>, vector<16xf32>,
          %sub3A_120 = vector.broadcast %mul3A_22 : i32 to vector<16xi32>
          %sub3A_121 = arith.subi %get3A_117, %sub3A_120 : vector<16xi32>
          %ge3A = arith.constant 0 : i32
          %ge3A_122 = vector.broadcast %ge3A : i32 to vector<16xi32>
          %ge3A_123 = arith.cmpi sge, %sub3A_121, %ge3A_122 : vector<16xi32>
          %lt3A = arith.constant 40960 : i32
          %lt3A_124 = vector.broadcast %lt3A : i32 to vector<16xi32>
          %lt3A_125 = arith.cmpi slt, %sub3A_121, %lt3A_124 : vector<16xi32>
          %and3A_126 = arith.andi %ge3A_123, %lt3A_125 : vector<16xi1>
          %jit3A_127 = arith.constant 0 : i32
          %broadcast_in_dim3A_128 = vector.broadcast %jit3A_127 : i32 to vector<16xi32>
          %select_n3A_129 = arith.select %and3A_126, %sub3A_121, %broadcast_in_dim3A_128 : vector<16xi1>, vector<16xi32>
          %shift_right_arithmetic3A_130 = arith.constant 9 : i32
          %shift_right_arithmetic3A_131 = vector.broadcast %shift_right_arithmetic3A_130 : i32 to vector<16xi32>
          %shift_right_arithmetic3A_132 = arith.shrsi %select_n3A_129, %shift_right_arithmetic3A_131 : vector<16xi32>
          %and3A_133 = arith.constant 511 : i32
          %and3A_134 = vector.broadcast %and3A_133 : i32 to vector<16xi32>
          %and3A_135 = arith.andi %select_n3A_129, %and3A_134 : vector<16xi32>
          tpu.vector_store_idx %arg7[%shift_right_arithmetic3A_132, %and3A_135], %get3A_119 masked %and3A_126 : memref<80x512xf32, #tpu.memory_space<vmem>>[vector<16xi32>, vector<16xi32>], vector<16xf32>, vector<16xi1>
          %scan3A_136 = arith.constant 1 : i32
          %scan3A_137 = arith.addi %scan3A_109, %scan3A_136 : i32
          %mul3A_138 = arith.constant 1 : i32
          %mul3A_139 = arith.muli %scan3A_137, %mul3A_138 : i32
          %add3A_140 = arith.constant 0 : i32
          %add3A_141 = arith.addi %add3A_140, %mul3A_139 : i32
          %mul3A_142 = arith.constant 16 : i32
          %mul3A_143 = arith.muli %add3A_141, %mul3A_142 : i32
          %get3A_144 = arith.index_cast %mul3A_143 : i32 to index
          %get3A_145 = tpu.vector_load %arg8[%get3A_144] {strides = array<i32>} : memref<8192xi32, #tpu.memory_space<vmem>>, vector<16xi32>,
          %get3A_146 = arith.index_cast %mul3A_143 : i32 to index
          %get3A_147 = tpu.vector_load %arg9[%get3A_146] {strides = array<i32>} : memref<8192xf32, #tpu.memory_space<vmem>>, vector<16xf32>,
          %sub3A_148 = vector.broadcast %mul3A_22 : i32 to vector<16xi32>
          %sub3A_149 = arith.subi %get3A_145, %sub3A_148 : vector<16xi32>
          %ge3A_150 = arith.constant 0 : i32
          %ge3A_151 = vector.broadcast %ge3A_150 : i32 to vector<16xi32>
          %ge3A_152 = arith.cmpi sge, %sub3A_149, %ge3A_151 : vector<16xi32>
          %lt3A_153 = arith.constant 40960 : i32
          %lt3A_154 = vector.broadcast %lt3A_153 : i32 to vector<16xi32>
          %lt3A_155 = arith.cmpi slt, %sub3A_149, %lt3A_154 : vector<16xi32>
          %and3A_156 = arith.andi %ge3A_152, %lt3A_155 : vector<16xi1>
          %jit3A_157 = arith.constant 0 : i32
          %broadcast_in_dim3A_158 = vector.broadcast %jit3A_157 : i32 to vector<16xi32>
          %select_n3A_159 = arith.select %and3A_156, %sub3A_149, %broadcast_in_dim3A_158 : vector<16xi1>, vector<16xi32>
          %shift_right_arithmetic3A_160 = arith.constant 9 : i32
          %shift_right_arithmetic3A_161 = vector.broadcast %shift_right_arithmetic3A_160 : i32 to vector<16xi32>
          %shift_right_arithmetic3A_162 = arith.shrsi %select_n3A_159, %shift_right_arithmetic3A_161 : vector<16xi32>
          %and3A_163 = arith.constant 511 : i32
          %and3A_164 = vector.broadcast %and3A_163 : i32 to vector<16xi32>
          %and3A_165 = arith.andi %select_n3A_159, %and3A_164 : vector<16xi32>
          tpu.vector_store_idx %arg7[%shift_right_arithmetic3A_162, %and3A_165], %get3A_147 masked %and3A_156 : memref<80x512xf32, #tpu.memory_space<vmem>>[vector<16xi32>, vector<16xi32>], vector<16xf32>, vector<16xi1>
          %scan3A_166 = arith.constant 2 : i32
          %scan3A_167 = arith.addi %scan3A_109, %scan3A_166 : i32
          %mul3A_168 = arith.constant 1 : i32
          %mul3A_169 = arith.muli %scan3A_167, %mul3A_168 : i32
          %add3A_170 = arith.constant 0 : i32
          %add3A_171 = arith.addi %add3A_170, %mul3A_169 : i32
          %mul3A_172 = arith.constant 16 : i32
          %mul3A_173 = arith.muli %add3A_171, %mul3A_172 : i32
          %get3A_174 = arith.index_cast %mul3A_173 : i32 to index
          %get3A_175 = tpu.vector_load %arg8[%get3A_174] {strides = array<i32>} : memref<8192xi32, #tpu.memory_space<vmem>>, vector<16xi32>,
          %get3A_176 = arith.index_cast %mul3A_173 : i32 to index
          %get3A_177 = tpu.vector_load %arg9[%get3A_176] {strides = array<i32>} : memref<8192xf32, #tpu.memory_space<vmem>>, vector<16xf32>,
          %sub3A_178 = vector.broadcast %mul3A_22 : i32 to vector<16xi32>
          %sub3A_179 = arith.subi %get3A_175, %sub3A_178 : vector<16xi32>
          %ge3A_180 = arith.constant 0 : i32
          %ge3A_181 = vector.broadcast %ge3A_180 : i32 to vector<16xi32>
          %ge3A_182 = arith.cmpi sge, %sub3A_179, %ge3A_181 : vector<16xi32>
          %lt3A_183 = arith.constant 40960 : i32
          %lt3A_184 = vector.broadcast %lt3A_183 : i32 to vector<16xi32>
          %lt3A_185 = arith.cmpi slt, %sub3A_179, %lt3A_184 : vector<16xi32>
          %and3A_186 = arith.andi %ge3A_182, %lt3A_185 : vector<16xi1>
          %jit3A_187 = arith.constant 0 : i32
          %broadcast_in_dim3A_188 = vector.broadcast %jit3A_187 : i32 to vector<16xi32>
          %select_n3A_189 = arith.select %and3A_186, %sub3A_179, %broadcast_in_dim3A_188 : vector<16xi1>, vector<16xi32>
          %shift_right_arithmetic3A_190 = arith.constant 9 : i32
          %shift_right_arithmetic3A_191 = vector.broadcast %shift_right_arithmetic3A_190 : i32 to vector<16xi32>
          %shift_right_arithmetic3A_192 = arith.shrsi %select_n3A_189, %shift_right_arithmetic3A_191 : vector<16xi32>
          %and3A_193 = arith.constant 511 : i32
          %and3A_194 = vector.broadcast %and3A_193 : i32 to vector<16xi32>
          %and3A_195 = arith.andi %select_n3A_189, %and3A_194 : vector<16xi32>
          tpu.vector_store_idx %arg7[%shift_right_arithmetic3A_192, %and3A_195], %get3A_177 masked %and3A_186 : memref<80x512xf32, #tpu.memory_space<vmem>>[vector<16xi32>, vector<16xi32>], vector<16xf32>, vector<16xi1>
          %scan3A_196 = arith.constant 3 : i32
          %scan3A_197 = arith.addi %scan3A_109, %scan3A_196 : i32
          %mul3A_198 = arith.constant 1 : i32
          %mul3A_199 = arith.muli %scan3A_197, %mul3A_198 : i32
          %add3A_200 = arith.constant 0 : i32
          %add3A_201 = arith.addi %add3A_200, %mul3A_199 : i32
          %mul3A_202 = arith.constant 16 : i32
          %mul3A_203 = arith.muli %add3A_201, %mul3A_202 : i32
          %get3A_204 = arith.index_cast %mul3A_203 : i32 to index
          %get3A_205 = tpu.vector_load %arg8[%get3A_204] {strides = array<i32>} : memref<8192xi32, #tpu.memory_space<vmem>>, vector<16xi32>,
          %get3A_206 = arith.index_cast %mul3A_203 : i32 to index
          %get3A_207 = tpu.vector_load %arg9[%get3A_206] {strides = array<i32>} : memref<8192xf32, #tpu.memory_space<vmem>>, vector<16xf32>,
          %sub3A_208 = vector.broadcast %mul3A_22 : i32 to vector<16xi32>
          %sub3A_209 = arith.subi %get3A_205, %sub3A_208 : vector<16xi32>
          %ge3A_210 = arith.constant 0 : i32
          %ge3A_211 = vector.broadcast %ge3A_210 : i32 to vector<16xi32>
          %ge3A_212 = arith.cmpi sge, %sub3A_209, %ge3A_211 : vector<16xi32>
          %lt3A_213 = arith.constant 40960 : i32
          %lt3A_214 = vector.broadcast %lt3A_213 : i32 to vector<16xi32>
          %lt3A_215 = arith.cmpi slt, %sub3A_209, %lt3A_214 : vector<16xi32>
          %and3A_216 = arith.andi %ge3A_212, %lt3A_215 : vector<16xi1>
          %jit3A_217 = arith.constant 0 : i32
          %broadcast_in_dim3A_218 = vector.broadcast %jit3A_217 : i32 to vector<16xi32>
          %select_n3A_219 = arith.select %and3A_216, %sub3A_209, %broadcast_in_dim3A_218 : vector<16xi1>, vector<16xi32>
          %shift_right_arithmetic3A_220 = arith.constant 9 : i32
          %shift_right_arithmetic3A_221 = vector.broadcast %shift_right_arithmetic3A_220 : i32 to vector<16xi32>
          %shift_right_arithmetic3A_222 = arith.shrsi %select_n3A_219, %shift_right_arithmetic3A_221 : vector<16xi32>
          %and3A_223 = arith.constant 511 : i32
          %and3A_224 = vector.broadcast %and3A_223 : i32 to vector<16xi32>
          %and3A_225 = arith.andi %select_n3A_219, %and3A_224 : vector<16xi32>
          tpu.vector_store_idx %arg7[%shift_right_arithmetic3A_222, %and3A_225], %get3A_207 masked %and3A_216 : memref<80x512xf32, #tpu.memory_space<vmem>>[vector<16xi32>, vector<16xi32>], vector<16xf32>, vector<16xi1>
          %scan3A_226 = arith.constant 4 : i32
          %scan3A_227 = arith.addi %scan3A_109, %scan3A_226 : i32
          %mul3A_228 = arith.constant 1 : i32
          %mul3A_229 = arith.muli %scan3A_227, %mul3A_228 : i32
          %add3A_230 = arith.constant 0 : i32
          %add3A_231 = arith.addi %add3A_230, %mul3A_229 : i32
          %mul3A_232 = arith.constant 16 : i32
          %mul3A_233 = arith.muli %add3A_231, %mul3A_232 : i32
          %get3A_234 = arith.index_cast %mul3A_233 : i32 to index
          %get3A_235 = tpu.vector_load %arg8[%get3A_234] {strides = array<i32>} : memref<8192xi32, #tpu.memory_space<vmem>>, vector<16xi32>,
          %get3A_236 = arith.index_cast %mul3A_233 : i32 to index
          %get3A_237 = tpu.vector_load %arg9[%get3A_236] {strides = array<i32>} : memref<8192xf32, #tpu.memory_space<vmem>>, vector<16xf32>,
          %sub3A_238 = vector.broadcast %mul3A_22 : i32 to vector<16xi32>
          %sub3A_239 = arith.subi %get3A_235, %sub3A_238 : vector<16xi32>
          %ge3A_240 = arith.constant 0 : i32
          %ge3A_241 = vector.broadcast %ge3A_240 : i32 to vector<16xi32>
          %ge3A_242 = arith.cmpi sge, %sub3A_239, %ge3A_241 : vector<16xi32>
          %lt3A_243 = arith.constant 40960 : i32
          %lt3A_244 = vector.broadcast %lt3A_243 : i32 to vector<16xi32>
          %lt3A_245 = arith.cmpi slt, %sub3A_239, %lt3A_244 : vector<16xi32>
          %and3A_246 = arith.andi %ge3A_242, %lt3A_245 : vector<16xi1>
          %jit3A_247 = arith.constant 0 : i32
          %broadcast_in_dim3A_248 = vector.broadcast %jit3A_247 : i32 to vector<16xi32>
          %select_n3A_249 = arith.select %and3A_246, %sub3A_239, %broadcast_in_dim3A_248 : vector<16xi1>, vector<16xi32>
          %shift_right_arithmetic3A_250 = arith.constant 9 : i32
          %shift_right_arithmetic3A_251 = vector.broadcast %shift_right_arithmetic3A_250 : i32 to vector<16xi32>
          %shift_right_arithmetic3A_252 = arith.shrsi %select_n3A_249, %shift_right_arithmetic3A_251 : vector<16xi32>
          %and3A_253 = arith.constant 511 : i32
          %and3A_254 = vector.broadcast %and3A_253 : i32 to vector<16xi32>
          %and3A_255 = arith.andi %select_n3A_249, %and3A_254 : vector<16xi32>
          tpu.vector_store_idx %arg7[%shift_right_arithmetic3A_252, %and3A_255], %get3A_237 masked %and3A_246 : memref<80x512xf32, #tpu.memory_space<vmem>>[vector<16xi32>, vector<16xi32>], vector<16xf32>, vector<16xi1>
          %scan3A_256 = arith.constant 5 : i32
          %scan3A_257 = arith.addi %scan3A_109, %scan3A_256 : i32
          %mul3A_258 = arith.constant 1 : i32
          %mul3A_259 = arith.muli %scan3A_257, %mul3A_258 : i32
          %add3A_260 = arith.constant 0 : i32
          %add3A_261 = arith.addi %add3A_260, %mul3A_259 : i32
          %mul3A_262 = arith.constant 16 : i32
          %mul3A_263 = arith.muli %add3A_261, %mul3A_262 : i32
          %get3A_264 = arith.index_cast %mul3A_263 : i32 to index
          %get3A_265 = tpu.vector_load %arg8[%get3A_264] {strides = array<i32>} : memref<8192xi32, #tpu.memory_space<vmem>>, vector<16xi32>,
          %get3A_266 = arith.index_cast %mul3A_263 : i32 to index
          %get3A_267 = tpu.vector_load %arg9[%get3A_266] {strides = array<i32>} : memref<8192xf32, #tpu.memory_space<vmem>>, vector<16xf32>,
          %sub3A_268 = vector.broadcast %mul3A_22 : i32 to vector<16xi32>
          %sub3A_269 = arith.subi %get3A_265, %sub3A_268 : vector<16xi32>
          %ge3A_270 = arith.constant 0 : i32
          %ge3A_271 = vector.broadcast %ge3A_270 : i32 to vector<16xi32>
          %ge3A_272 = arith.cmpi sge, %sub3A_269, %ge3A_271 : vector<16xi32>
          %lt3A_273 = arith.constant 40960 : i32
          %lt3A_274 = vector.broadcast %lt3A_273 : i32 to vector<16xi32>
          %lt3A_275 = arith.cmpi slt, %sub3A_269, %lt3A_274 : vector<16xi32>
          %and3A_276 = arith.andi %ge3A_272, %lt3A_275 : vector<16xi1>
          %jit3A_277 = arith.constant 0 : i32
          %broadcast_in_dim3A_278 = vector.broadcast %jit3A_277 : i32 to vector<16xi32>
          %select_n3A_279 = arith.select %and3A_276, %sub3A_269, %broadcast_in_dim3A_278 : vector<16xi1>, vector<16xi32>
          %shift_right_arithmetic3A_280 = arith.constant 9 : i32
          %shift_right_arithmetic3A_281 = vector.broadcast %shift_right_arithmetic3A_280 : i32 to vector<16xi32>
          %shift_right_arithmetic3A_282 = arith.shrsi %select_n3A_279, %shift_right_arithmetic3A_281 : vector<16xi32>
          %and3A_283 = arith.constant 511 : i32
          %and3A_284 = vector.broadcast %and3A_283 : i32 to vector<16xi32>
          %and3A_285 = arith.andi %select_n3A_279, %and3A_284 : vector<16xi32>
          tpu.vector_store_idx %arg7[%shift_right_arithmetic3A_282, %and3A_285], %get3A_267 masked %and3A_276 : memref<80x512xf32, #tpu.memory_space<vmem>>[vector<16xi32>, vector<16xi32>], vector<16xf32>, vector<16xi1>
          %scan3A_286 = arith.constant 6 : i32
          %scan3A_287 = arith.addi %scan3A_109, %scan3A_286 : i32
          %mul3A_288 = arith.constant 1 : i32
          %mul3A_289 = arith.muli %scan3A_287, %mul3A_288 : i32
          %add3A_290 = arith.constant 0 : i32
          %add3A_291 = arith.addi %add3A_290, %mul3A_289 : i32
          %mul3A_292 = arith.constant 16 : i32
          %mul3A_293 = arith.muli %add3A_291, %mul3A_292 : i32
          %get3A_294 = arith.index_cast %mul3A_293 : i32 to index
          %get3A_295 = tpu.vector_load %arg8[%get3A_294] {strides = array<i32>} : memref<8192xi32, #tpu.memory_space<vmem>>, vector<16xi32>,
          %get3A_296 = arith.index_cast %mul3A_293 : i32 to index
          %get3A_297 = tpu.vector_load %arg9[%get3A_296] {strides = array<i32>} : memref<8192xf32, #tpu.memory_space<vmem>>, vector<16xf32>,
          %sub3A_298 = vector.broadcast %mul3A_22 : i32 to vector<16xi32>
          %sub3A_299 = arith.subi %get3A_295, %sub3A_298 : vector<16xi32>
          %ge3A_300 = arith.constant 0 : i32
          %ge3A_301 = vector.broadcast %ge3A_300 : i32 to vector<16xi32>
          %ge3A_302 = arith.cmpi sge, %sub3A_299, %ge3A_301 : vector<16xi32>
          %lt3A_303 = arith.constant 40960 : i32
          %lt3A_304 = vector.broadcast %lt3A_303 : i32 to vector<16xi32>
          %lt3A_305 = arith.cmpi slt, %sub3A_299, %lt3A_304 : vector<16xi32>
          %and3A_306 = arith.andi %ge3A_302, %lt3A_305 : vector<16xi1>
          %jit3A_307 = arith.constant 0 : i32
          %broadcast_in_dim3A_308 = vector.broadcast %jit3A_307 : i32 to vector<16xi32>
          %select_n3A_309 = arith.select %and3A_306, %sub3A_299, %broadcast_in_dim3A_308 : vector<16xi1>, vector<16xi32>
          %shift_right_arithmetic3A_310 = arith.constant 9 : i32
          %shift_right_arithmetic3A_311 = vector.broadcast %shift_right_arithmetic3A_310 : i32 to vector<16xi32>
          %shift_right_arithmetic3A_312 = arith.shrsi %select_n3A_309, %shift_right_arithmetic3A_311 : vector<16xi32>
          %and3A_313 = arith.constant 511 : i32
          %and3A_314 = vector.broadcast %and3A_313 : i32 to vector<16xi32>
          %and3A_315 = arith.andi %select_n3A_309, %and3A_314 : vector<16xi32>
          tpu.vector_store_idx %arg7[%shift_right_arithmetic3A_312, %and3A_315], %get3A_297 masked %and3A_306 : memref<80x512xf32, #tpu.memory_space<vmem>>[vector<16xi32>, vector<16xi32>], vector<16xf32>, vector<16xi1>
          %scan3A_316 = arith.constant 7 : i32
          %scan3A_317 = arith.addi %scan3A_109, %scan3A_316 : i32
          %mul3A_318 = arith.constant 1 : i32
          %mul3A_319 = arith.muli %scan3A_317, %mul3A_318 : i32
          %add3A_320 = arith.constant 0 : i32
          %add3A_321 = arith.addi %add3A_320, %mul3A_319 : i32
          %mul3A_322 = arith.constant 16 : i32
          %mul3A_323 = arith.muli %add3A_321, %mul3A_322 : i32
          %get3A_324 = arith.index_cast %mul3A_323 : i32 to index
          %get3A_325 = tpu.vector_load %arg8[%get3A_324] {strides = array<i32>} : memref<8192xi32, #tpu.memory_space<vmem>>, vector<16xi32>,
          %get3A_326 = arith.index_cast %mul3A_323 : i32 to index
          %get3A_327 = tpu.vector_load %arg9[%get3A_326] {strides = array<i32>} : memref<8192xf32, #tpu.memory_space<vmem>>, vector<16xf32>,
          %sub3A_328 = vector.broadcast %mul3A_22 : i32 to vector<16xi32>
          %sub3A_329 = arith.subi %get3A_325, %sub3A_328 : vector<16xi32>
          %ge3A_330 = arith.constant 0 : i32
          %ge3A_331 = vector.broadcast %ge3A_330 : i32 to vector<16xi32>
          %ge3A_332 = arith.cmpi sge, %sub3A_329, %ge3A_331 : vector<16xi32>
          %lt3A_333 = arith.constant 40960 : i32
          %lt3A_334 = vector.broadcast %lt3A_333 : i32 to vector<16xi32>
          %lt3A_335 = arith.cmpi slt, %sub3A_329, %lt3A_334 : vector<16xi32>
          %and3A_336 = arith.andi %ge3A_332, %lt3A_335 : vector<16xi1>
          %jit3A_337 = arith.constant 0 : i32
          %broadcast_in_dim3A_338 = vector.broadcast %jit3A_337 : i32 to vector<16xi32>
          %select_n3A_339 = arith.select %and3A_336, %sub3A_329, %broadcast_in_dim3A_338 : vector<16xi1>, vector<16xi32>
          %shift_right_arithmetic3A_340 = arith.constant 9 : i32
          %shift_right_arithmetic3A_341 = vector.broadcast %shift_right_arithmetic3A_340 : i32 to vector<16xi32>
          %shift_right_arithmetic3A_342 = arith.shrsi %select_n3A_339, %shift_right_arithmetic3A_341 : vector<16xi32>
          %and3A_343 = arith.constant 511 : i32
          %and3A_344 = vector.broadcast %and3A_343 : i32 to vector<16xi32>
          %and3A_345 = arith.andi %select_n3A_339, %and3A_344 : vector<16xi32>
          tpu.vector_store_idx %arg7[%shift_right_arithmetic3A_342, %and3A_345], %get3A_327 masked %and3A_336 : memref<80x512xf32, #tpu.memory_space<vmem>>[vector<16xi32>, vector<16xi32>], vector<16xf32>, vector<16xi1>
        }
        %scan3A_108 = arith.constant 512 : i32
      }
      %while3A_96 = arith.constant 1 : i32
      scf.for %while3A_97 = %while3A_94 to %while3A_90 step %while3A_96  : i32 {
        %mul3A_98 = arith.muli %while3A_97, %while3A_86 : i32
        %add3A_99 = arith.addi %while3A_87, %mul3A_98 : i32
        %mul3A_100 = arith.constant 8192 : i32
        %mul3A_101 = arith.muli %add3A_99, %mul3A_100 : i32
        %add3A_102 = arith.addi %multiple_of3A_53, %mul3A_101 : i32
        %min3A = arith.constant 8380416 : i32
        %min3A_103 = arith.minsi %add3A_102, %min3A : i32
        %multiple_of3A_104 = tpu.assume_multiple %min3A_103, 8 : i32
        "tpu.region"() ({
          %run_scoped3A = tpu.sem_alloc : memref<!tpu.dma_semaphore, #tpu.memory_space<semaphore_mem>>
          %dma_start3A = tpu.memref_slice %arg3[%multiple_of3A_104] : memref<8388608xi32, #tpu.memory_space<hbm>> -> memref<8192xi32, #tpu.memory_space<hbm>>
          %dma_start3A_109 = tpu.memref_slice %arg3[%multiple_of3A_104] : memref<8388608xi32, #tpu.memory_space<hbm>> -> memref<8192xi32, #tpu.memory_space<hbm>>
          tpu.enqueue_dma source(%dma_start3A_109 : memref<8192xi32, #tpu.memory_space<hbm>>) target(%arg8 : memref<8192xi32, #tpu.memory_space<vmem>>) target_semaphore(%run_scoped3A : memref<!tpu.dma_semaphore, #tpu.memory_space<semaphore_mem>>)
          %dma_wait3A = tpu.memref_slice %arg3[%multiple_of3A_104] : memref<8388608xi32, #tpu.memory_space<hbm>> -> memref<8192xi32, #tpu.memory_space<hbm>>
          %dma_wait3A_110 = tpu.memref_slice %arg3[%multiple_of3A_104] : memref<8388608xi32, #tpu.memory_space<hbm>> -> memref<8192xi32, #tpu.memory_space<hbm>>
          tpu.wait_dma2 semaphore(%run_scoped3A : memref<!tpu.dma_semaphore, #tpu.memory_space<semaphore_mem>>) src(%dma_wait3A_110 : memref<8192xi32, #tpu.memory_space<hbm>>) dst(%arg8 : memref<8192xi32, #tpu.memory_space<vmem>>)
          tpu.yield
        }) : () -> ()
        "tpu.region"() ({
          %run_scoped3A = tpu.sem_alloc : memref<!tpu.dma_semaphore, #tpu.memory_space<semaphore_mem>>
          %dma_start3A = tpu.memref_slice %arg4[%multiple_of3A_104] : memref<8388608xf32, #tpu.memory_space<hbm>> -> memref<8192xf32, #tpu.memory_space<hbm>>
          %dma_start3A_109 = tpu.memref_slice %arg4[%multiple_of3A_104] : memref<8388608xf32, #tpu.memory_space<hbm>> -> memref<8192xf32, #tpu.memory_space<hbm>>
          tpu.enqueue_dma source(%dma_start3A_109 : memref<8192xf32, #tpu.memory_space<hbm>>) target(%arg9 : memref<8192xf32, #tpu.memory_space<vmem>>) target_semaphore(%run_scoped3A : memref<!tpu.dma_semaphore, #tpu.memory_space<semaphore_mem>>)
          %dma_wait3A = tpu.memref_slice %arg4[%multiple_of3A_104] : memref<8388608xf32, #tpu.memory_space<hbm>> -> memref<8192xf32, #tpu.memory_space<hbm>>
          %dma_wait3A_110 = tpu.memref_slice %arg4[%multiple_of3A_104] : memref<8388608xf32, #tpu.memory_space<hbm>> -> memref<8192xf32, #tpu.memory_space<hbm>>
          tpu.wait_dma2 semaphore(%run_scoped3A : memref<!tpu.dma_semaphore, #tpu.memory_space<semaphore_mem>>) src(%dma_wait3A_110 : memref<8192xf32, #tpu.memory_space<hbm>>) dst(%arg9 : memref<8192xf32, #tpu.memory_space<vmem>>)
          tpu.yield
        }) : () -> ()
        %scan3A = arith.constant 0 : i32
        %scan3A_105 = arith.constant 512 : i32
        %scan3A_106 = arith.addi %scan3A, %scan3A_105 : i32
        %scan3A_107 = arith.constant 8 : i32
        scf.for %scan3A_109 = %scan3A to %scan3A_106 step %scan3A_107  : i32 {
          %mul3A_110 = arith.constant 1 : i32
          %mul3A_111 = arith.muli %scan3A_109, %mul3A_110 : i32
          %add3A_112 = arith.constant 0 : i32
          %add3A_113 = arith.addi %add3A_112, %mul3A_111 : i32
          %mul3A_114 = arith.constant 16 : i32
          %mul3A_115 = arith.muli %add3A_113, %mul3A_114 : i32
          %get3A_116 = arith.index_cast %mul3A_115 : i32 to index
          %get3A_117 = tpu.vector_load %arg8[%get3A_116] {strides = array<i32>} : memref<8192xi32, #tpu.memory_space<vmem>>, vector<16xi32>,
          %get3A_118 = arith.index_cast %mul3A_115 : i32 to index
          %get3A_119 = tpu.vector_load %arg9[%get3A_118] {strides = array<i32>} : memref<8192xf32, #tpu.memory_space<vmem>>, vector<16xf32>,
          %sub3A_120 = vector.broadcast %mul3A_22 : i32 to vector<16xi32>
          %sub3A_121 = arith.subi %get3A_117, %sub3A_120 : vector<16xi32>
          %ge3A = arith.constant 0 : i32
          %ge3A_122 = vector.broadcast %ge3A : i32 to vector<16xi32>
          %ge3A_123 = arith.cmpi sge, %sub3A_121, %ge3A_122 : vector<16xi32>
          %lt3A = arith.constant 40960 : i32
          %lt3A_124 = vector.broadcast %lt3A : i32 to vector<16xi32>
          %lt3A_125 = arith.cmpi slt, %sub3A_121, %lt3A_124 : vector<16xi32>
          %and3A_126 = arith.andi %ge3A_123, %lt3A_125 : vector<16xi1>
          %jit3A_127 = arith.constant 0 : i32
          %broadcast_in_dim3A_128 = vector.broadcast %jit3A_127 : i32 to vector<16xi32>
          %select_n3A_129 = arith.select %and3A_126, %sub3A_121, %broadcast_in_dim3A_128 : vector<16xi1>, vector<16xi32>
          %shift_right_arithmetic3A_130 = arith.constant 9 : i32
          %shift_right_arithmetic3A_131 = vector.broadcast %shift_right_arithmetic3A_130 : i32 to vector<16xi32>
          %shift_right_arithmetic3A_132 = arith.shrsi %select_n3A_129, %shift_right_arithmetic3A_131 : vector<16xi32>
          %and3A_133 = arith.constant 511 : i32
          %and3A_134 = vector.broadcast %and3A_133 : i32 to vector<16xi32>
          %and3A_135 = arith.andi %select_n3A_129, %and3A_134 : vector<16xi32>
          tpu.vector_store_idx %arg7[%shift_right_arithmetic3A_132, %and3A_135], %get3A_119 masked %and3A_126 : memref<80x512xf32, #tpu.memory_space<vmem>>[vector<16xi32>, vector<16xi32>], vector<16xf32>, vector<16xi1>
          %scan3A_136 = arith.constant 1 : i32
          %scan3A_137 = arith.addi %scan3A_109, %scan3A_136 : i32
          %mul3A_138 = arith.constant 1 : i32
          %mul3A_139 = arith.muli %scan3A_137, %mul3A_138 : i32
          %add3A_140 = arith.constant 0 : i32
          %add3A_141 = arith.addi %add3A_140, %mul3A_139 : i32
          %mul3A_142 = arith.constant 16 : i32
          %mul3A_143 = arith.muli %add3A_141, %mul3A_142 : i32
          %get3A_144 = arith.index_cast %mul3A_143 : i32 to index
          %get3A_145 = tpu.vector_load %arg8[%get3A_144] {strides = array<i32>} : memref<8192xi32, #tpu.memory_space<vmem>>, vector<16xi32>,
          %get3A_146 = arith.index_cast %mul3A_143 : i32 to index
          %get3A_147 = tpu.vector_load %arg9[%get3A_146] {strides = array<i32>} : memref<8192xf32, #tpu.memory_space<vmem>>, vector<16xf32>,
          %sub3A_148 = vector.broadcast %mul3A_22 : i32 to vector<16xi32>
          %sub3A_149 = arith.subi %get3A_145, %sub3A_148 : vector<16xi32>
          %ge3A_150 = arith.constant 0 : i32
          %ge3A_151 = vector.broadcast %ge3A_150 : i32 to vector<16xi32>
          %ge3A_152 = arith.cmpi sge, %sub3A_149, %ge3A_151 : vector<16xi32>
          %lt3A_153 = arith.constant 40960 : i32
          %lt3A_154 = vector.broadcast %lt3A_153 : i32 to vector<16xi32>
          %lt3A_155 = arith.cmpi slt, %sub3A_149, %lt3A_154 : vector<16xi32>
          %and3A_156 = arith.andi %ge3A_152, %lt3A_155 : vector<16xi1>
          %jit3A_157 = arith.constant 0 : i32
          %broadcast_in_dim3A_158 = vector.broadcast %jit3A_157 : i32 to vector<16xi32>
          %select_n3A_159 = arith.select %and3A_156, %sub3A_149, %broadcast_in_dim3A_158 : vector<16xi1>, vector<16xi32>
          %shift_right_arithmetic3A_160 = arith.constant 9 : i32
          %shift_right_arithmetic3A_161 = vector.broadcast %shift_right_arithmetic3A_160 : i32 to vector<16xi32>
          %shift_right_arithmetic3A_162 = arith.shrsi %select_n3A_159, %shift_right_arithmetic3A_161 : vector<16xi32>
          %and3A_163 = arith.constant 511 : i32
          %and3A_164 = vector.broadcast %and3A_163 : i32 to vector<16xi32>
          %and3A_165 = arith.andi %select_n3A_159, %and3A_164 : vector<16xi32>
          tpu.vector_store_idx %arg7[%shift_right_arithmetic3A_162, %and3A_165], %get3A_147 masked %and3A_156 : memref<80x512xf32, #tpu.memory_space<vmem>>[vector<16xi32>, vector<16xi32>], vector<16xf32>, vector<16xi1>
          %scan3A_166 = arith.constant 2 : i32
          %scan3A_167 = arith.addi %scan3A_109, %scan3A_166 : i32
          %mul3A_168 = arith.constant 1 : i32
          %mul3A_169 = arith.muli %scan3A_167, %mul3A_168 : i32
          %add3A_170 = arith.constant 0 : i32
          %add3A_171 = arith.addi %add3A_170, %mul3A_169 : i32
          %mul3A_172 = arith.constant 16 : i32
          %mul3A_173 = arith.muli %add3A_171, %mul3A_172 : i32
          %get3A_174 = arith.index_cast %mul3A_173 : i32 to index
          %get3A_175 = tpu.vector_load %arg8[%get3A_174] {strides = array<i32>} : memref<8192xi32, #tpu.memory_space<vmem>>, vector<16xi32>,
          %get3A_176 = arith.index_cast %mul3A_173 : i32 to index
          %get3A_177 = tpu.vector_load %arg9[%get3A_176] {strides = array<i32>} : memref<8192xf32, #tpu.memory_space<vmem>>, vector<16xf32>,
          %sub3A_178 = vector.broadcast %mul3A_22 : i32 to vector<16xi32>
          %sub3A_179 = arith.subi %get3A_175, %sub3A_178 : vector<16xi32>
          %ge3A_180 = arith.constant 0 : i32
          %ge3A_181 = vector.broadcast %ge3A_180 : i32 to vector<16xi32>
          %ge3A_182 = arith.cmpi sge, %sub3A_179, %ge3A_181 : vector<16xi32>
          %lt3A_183 = arith.constant 40960 : i32
          %lt3A_184 = vector.broadcast %lt3A_183 : i32 to vector<16xi32>
          %lt3A_185 = arith.cmpi slt, %sub3A_179, %lt3A_184 : vector<16xi32>
          %and3A_186 = arith.andi %ge3A_182, %lt3A_185 : vector<16xi1>
          %jit3A_187 = arith.constant 0 : i32
          %broadcast_in_dim3A_188 = vector.broadcast %jit3A_187 : i32 to vector<16xi32>
          %select_n3A_189 = arith.select %and3A_186, %sub3A_179, %broadcast_in_dim3A_188 : vector<16xi1>, vector<16xi32>
          %shift_right_arithmetic3A_190 = arith.constant 9 : i32
          %shift_right_arithmetic3A_191 = vector.broadcast %shift_right_arithmetic3A_190 : i32 to vector<16xi32>
          %shift_right_arithmetic3A_192 = arith.shrsi %select_n3A_189, %shift_right_arithmetic3A_191 : vector<16xi32>
          %and3A_193 = arith.constant 511 : i32
          %and3A_194 = vector.broadcast %and3A_193 : i32 to vector<16xi32>
          %and3A_195 = arith.andi %select_n3A_189, %and3A_194 : vector<16xi32>
          tpu.vector_store_idx %arg7[%shift_right_arithmetic3A_192, %and3A_195], %get3A_177 masked %and3A_186 : memref<80x512xf32, #tpu.memory_space<vmem>>[vector<16xi32>, vector<16xi32>], vector<16xf32>, vector<16xi1>
          %scan3A_196 = arith.constant 3 : i32
          %scan3A_197 = arith.addi %scan3A_109, %scan3A_196 : i32
          %mul3A_198 = arith.constant 1 : i32
          %mul3A_199 = arith.muli %scan3A_197, %mul3A_198 : i32
          %add3A_200 = arith.constant 0 : i32
          %add3A_201 = arith.addi %add3A_200, %mul3A_199 : i32
          %mul3A_202 = arith.constant 16 : i32
          %mul3A_203 = arith.muli %add3A_201, %mul3A_202 : i32
          %get3A_204 = arith.index_cast %mul3A_203 : i32 to index
          %get3A_205 = tpu.vector_load %arg8[%get3A_204] {strides = array<i32>} : memref<8192xi32, #tpu.memory_space<vmem>>, vector<16xi32>,
          %get3A_206 = arith.index_cast %mul3A_203 : i32 to index
          %get3A_207 = tpu.vector_load %arg9[%get3A_206] {strides = array<i32>} : memref<8192xf32, #tpu.memory_space<vmem>>, vector<16xf32>,
          %sub3A_208 = vector.broadcast %mul3A_22 : i32 to vector<16xi32>
          %sub3A_209 = arith.subi %get3A_205, %sub3A_208 : vector<16xi32>
          %ge3A_210 = arith.constant 0 : i32
          %ge3A_211 = vector.broadcast %ge3A_210 : i32 to vector<16xi32>
          %ge3A_212 = arith.cmpi sge, %sub3A_209, %ge3A_211 : vector<16xi32>
          %lt3A_213 = arith.constant 40960 : i32
          %lt3A_214 = vector.broadcast %lt3A_213 : i32 to vector<16xi32>
          %lt3A_215 = arith.cmpi slt, %sub3A_209, %lt3A_214 : vector<16xi32>
          %and3A_216 = arith.andi %ge3A_212, %lt3A_215 : vector<16xi1>
          %jit3A_217 = arith.constant 0 : i32
          %broadcast_in_dim3A_218 = vector.broadcast %jit3A_217 : i32 to vector<16xi32>
          %select_n3A_219 = arith.select %and3A_216, %sub3A_209, %broadcast_in_dim3A_218 : vector<16xi1>, vector<16xi32>
          %shift_right_arithmetic3A_220 = arith.constant 9 : i32
          %shift_right_arithmetic3A_221 = vector.broadcast %shift_right_arithmetic3A_220 : i32 to vector<16xi32>
          %shift_right_arithmetic3A_222 = arith.shrsi %select_n3A_219, %shift_right_arithmetic3A_221 : vector<16xi32>
          %and3A_223 = arith.constant 511 : i32
          %and3A_224 = vector.broadcast %and3A_223 : i32 to vector<16xi32>
          %and3A_225 = arith.andi %select_n3A_219, %and3A_224 : vector<16xi32>
          tpu.vector_store_idx %arg7[%shift_right_arithmetic3A_222, %and3A_225], %get3A_207 masked %and3A_216 : memref<80x512xf32, #tpu.memory_space<vmem>>[vector<16xi32>, vector<16xi32>], vector<16xf32>, vector<16xi1>
          %scan3A_226 = arith.constant 4 : i32
          %scan3A_227 = arith.addi %scan3A_109, %scan3A_226 : i32
          %mul3A_228 = arith.constant 1 : i32
          %mul3A_229 = arith.muli %scan3A_227, %mul3A_228 : i32
          %add3A_230 = arith.constant 0 : i32
          %add3A_231 = arith.addi %add3A_230, %mul3A_229 : i32
          %mul3A_232 = arith.constant 16 : i32
          %mul3A_233 = arith.muli %add3A_231, %mul3A_232 : i32
          %get3A_234 = arith.index_cast %mul3A_233 : i32 to index
          %get3A_235 = tpu.vector_load %arg8[%get3A_234] {strides = array<i32>} : memref<8192xi32, #tpu.memory_space<vmem>>, vector<16xi32>,
          %get3A_236 = arith.index_cast %mul3A_233 : i32 to index
          %get3A_237 = tpu.vector_load %arg9[%get3A_236] {strides = array<i32>} : memref<8192xf32, #tpu.memory_space<vmem>>, vector<16xf32>,
          %sub3A_238 = vector.broadcast %mul3A_22 : i32 to vector<16xi32>
          %sub3A_239 = arith.subi %get3A_235, %sub3A_238 : vector<16xi32>
          %ge3A_240 = arith.constant 0 : i32
          %ge3A_241 = vector.broadcast %ge3A_240 : i32 to vector<16xi32>
          %ge3A_242 = arith.cmpi sge, %sub3A_239, %ge3A_241 : vector<16xi32>
          %lt3A_243 = arith.constant 40960 : i32
          %lt3A_244 = vector.broadcast %lt3A_243 : i32 to vector<16xi32>
          %lt3A_245 = arith.cmpi slt, %sub3A_239, %lt3A_244 : vector<16xi32>
          %and3A_246 = arith.andi %ge3A_242, %lt3A_245 : vector<16xi1>
          %jit3A_247 = arith.constant 0 : i32
          %broadcast_in_dim3A_248 = vector.broadcast %jit3A_247 : i32 to vector<16xi32>
          %select_n3A_249 = arith.select %and3A_246, %sub3A_239, %broadcast_in_dim3A_248 : vector<16xi1>, vector<16xi32>
          %shift_right_arithmetic3A_250 = arith.constant 9 : i32
          %shift_right_arithmetic3A_251 = vector.broadcast %shift_right_arithmetic3A_250 : i32 to vector<16xi32>
          %shift_right_arithmetic3A_252 = arith.shrsi %select_n3A_249, %shift_right_arithmetic3A_251 : vector<16xi32>
          %and3A_253 = arith.constant 511 : i32
          %and3A_254 = vector.broadcast %and3A_253 : i32 to vector<16xi32>
          %and3A_255 = arith.andi %select_n3A_249, %and3A_254 : vector<16xi32>
          tpu.vector_store_idx %arg7[%shift_right_arithmetic3A_252, %and3A_255], %get3A_237 masked %and3A_246 : memref<80x512xf32, #tpu.memory_space<vmem>>[vector<16xi32>, vector<16xi32>], vector<16xf32>, vector<16xi1>
          %scan3A_256 = arith.constant 5 : i32
          %scan3A_257 = arith.addi %scan3A_109, %scan3A_256 : i32
          %mul3A_258 = arith.constant 1 : i32
          %mul3A_259 = arith.muli %scan3A_257, %mul3A_258 : i32
          %add3A_260 = arith.constant 0 : i32
          %add3A_261 = arith.addi %add3A_260, %mul3A_259 : i32
          %mul3A_262 = arith.constant 16 : i32
          %mul3A_263 = arith.muli %add3A_261, %mul3A_262 : i32
          %get3A_264 = arith.index_cast %mul3A_263 : i32 to index
          %get3A_265 = tpu.vector_load %arg8[%get3A_264] {strides = array<i32>} : memref<8192xi32, #tpu.memory_space<vmem>>, vector<16xi32>,
          %get3A_266 = arith.index_cast %mul3A_263 : i32 to index
          %get3A_267 = tpu.vector_load %arg9[%get3A_266] {strides = array<i32>} : memref<8192xf32, #tpu.memory_space<vmem>>, vector<16xf32>,
          %sub3A_268 = vector.broadcast %mul3A_22 : i32 to vector<16xi32>
          %sub3A_269 = arith.subi %get3A_265, %sub3A_268 : vector<16xi32>
          %ge3A_270 = arith.constant 0 : i32
          %ge3A_271 = vector.broadcast %ge3A_270 : i32 to vector<16xi32>
          %ge3A_272 = arith.cmpi sge, %sub3A_269, %ge3A_271 : vector<16xi32>
          %lt3A_273 = arith.constant 40960 : i32
          %lt3A_274 = vector.broadcast %lt3A_273 : i32 to vector<16xi32>
          %lt3A_275 = arith.cmpi slt, %sub3A_269, %lt3A_274 : vector<16xi32>
          %and3A_276 = arith.andi %ge3A_272, %lt3A_275 : vector<16xi1>
          %jit3A_277 = arith.constant 0 : i32
          %broadcast_in_dim3A_278 = vector.broadcast %jit3A_277 : i32 to vector<16xi32>
          %select_n3A_279 = arith.select %and3A_276, %sub3A_269, %broadcast_in_dim3A_278 : vector<16xi1>, vector<16xi32>
          %shift_right_arithmetic3A_280 = arith.constant 9 : i32
          %shift_right_arithmetic3A_281 = vector.broadcast %shift_right_arithmetic3A_280 : i32 to vector<16xi32>
          %shift_right_arithmetic3A_282 = arith.shrsi %select_n3A_279, %shift_right_arithmetic3A_281 : vector<16xi32>
          %and3A_283 = arith.constant 511 : i32
          %and3A_284 = vector.broadcast %and3A_283 : i32 to vector<16xi32>
          %and3A_285 = arith.andi %select_n3A_279, %and3A_284 : vector<16xi32>
          tpu.vector_store_idx %arg7[%shift_right_arithmetic3A_282, %and3A_285], %get3A_267 masked %and3A_276 : memref<80x512xf32, #tpu.memory_space<vmem>>[vector<16xi32>, vector<16xi32>], vector<16xf32>, vector<16xi1>
          %scan3A_286 = arith.constant 6 : i32
          %scan3A_287 = arith.addi %scan3A_109, %scan3A_286 : i32
          %mul3A_288 = arith.constant 1 : i32
          %mul3A_289 = arith.muli %scan3A_287, %mul3A_288 : i32
          %add3A_290 = arith.constant 0 : i32
          %add3A_291 = arith.addi %add3A_290, %mul3A_289 : i32
          %mul3A_292 = arith.constant 16 : i32
          %mul3A_293 = arith.muli %add3A_291, %mul3A_292 : i32
          %get3A_294 = arith.index_cast %mul3A_293 : i32 to index
          %get3A_295 = tpu.vector_load %arg8[%get3A_294] {strides = array<i32>} : memref<8192xi32, #tpu.memory_space<vmem>>, vector<16xi32>,
          %get3A_296 = arith.index_cast %mul3A_293 : i32 to index
          %get3A_297 = tpu.vector_load %arg9[%get3A_296] {strides = array<i32>} : memref<8192xf32, #tpu.memory_space<vmem>>, vector<16xf32>,
          %sub3A_298 = vector.broadcast %mul3A_22 : i32 to vector<16xi32>
          %sub3A_299 = arith.subi %get3A_295, %sub3A_298 : vector<16xi32>
          %ge3A_300 = arith.constant 0 : i32
          %ge3A_301 = vector.broadcast %ge3A_300 : i32 to vector<16xi32>
          %ge3A_302 = arith.cmpi sge, %sub3A_299, %ge3A_301 : vector<16xi32>
          %lt3A_303 = arith.constant 40960 : i32
          %lt3A_304 = vector.broadcast %lt3A_303 : i32 to vector<16xi32>
          %lt3A_305 = arith.cmpi slt, %sub3A_299, %lt3A_304 : vector<16xi32>
          %and3A_306 = arith.andi %ge3A_302, %lt3A_305 : vector<16xi1>
          %jit3A_307 = arith.constant 0 : i32
          %broadcast_in_dim3A_308 = vector.broadcast %jit3A_307 : i32 to vector<16xi32>
          %select_n3A_309 = arith.select %and3A_306, %sub3A_299, %broadcast_in_dim3A_308 : vector<16xi1>, vector<16xi32>
          %shift_right_arithmetic3A_310 = arith.constant 9 : i32
          %shift_right_arithmetic3A_311 = vector.broadcast %shift_right_arithmetic3A_310 : i32 to vector<16xi32>
          %shift_right_arithmetic3A_312 = arith.shrsi %select_n3A_309, %shift_right_arithmetic3A_311 : vector<16xi32>
          %and3A_313 = arith.constant 511 : i32
          %and3A_314 = vector.broadcast %and3A_313 : i32 to vector<16xi32>
          %and3A_315 = arith.andi %select_n3A_309, %and3A_314 : vector<16xi32>
          tpu.vector_store_idx %arg7[%shift_right_arithmetic3A_312, %and3A_315], %get3A_297 masked %and3A_306 : memref<80x512xf32, #tpu.memory_space<vmem>>[vector<16xi32>, vector<16xi32>], vector<16xf32>, vector<16xi1>
          %scan3A_316 = arith.constant 7 : i32
          %scan3A_317 = arith.addi %scan3A_109, %scan3A_316 : i32
          %mul3A_318 = arith.constant 1 : i32
          %mul3A_319 = arith.muli %scan3A_317, %mul3A_318 : i32
          %add3A_320 = arith.constant 0 : i32
          %add3A_321 = arith.addi %add3A_320, %mul3A_319 : i32
          %mul3A_322 = arith.constant 16 : i32
          %mul3A_323 = arith.muli %add3A_321, %mul3A_322 : i32
          %get3A_324 = arith.index_cast %mul3A_323 : i32 to index
          %get3A_325 = tpu.vector_load %arg8[%get3A_324] {strides = array<i32>} : memref<8192xi32, #tpu.memory_space<vmem>>, vector<16xi32>,
          %get3A_326 = arith.index_cast %mul3A_323 : i32 to index
          %get3A_327 = tpu.vector_load %arg9[%get3A_326] {strides = array<i32>} : memref<8192xf32, #tpu.memory_space<vmem>>, vector<16xf32>,
          %sub3A_328 = vector.broadcast %mul3A_22 : i32 to vector<16xi32>
          %sub3A_329 = arith.subi %get3A_325, %sub3A_328 : vector<16xi32>
          %ge3A_330 = arith.constant 0 : i32
          %ge3A_331 = vector.broadcast %ge3A_330 : i32 to vector<16xi32>
          %ge3A_332 = arith.cmpi sge, %sub3A_329, %ge3A_331 : vector<16xi32>
          %lt3A_333 = arith.constant 40960 : i32
          %lt3A_334 = vector.broadcast %lt3A_333 : i32 to vector<16xi32>
          %lt3A_335 = arith.cmpi slt, %sub3A_329, %lt3A_334 : vector<16xi32>
          %and3A_336 = arith.andi %ge3A_332, %lt3A_335 : vector<16xi1>
          %jit3A_337 = arith.constant 0 : i32
          %broadcast_in_dim3A_338 = vector.broadcast %jit3A_337 : i32 to vector<16xi32>
          %select_n3A_339 = arith.select %and3A_336, %sub3A_329, %broadcast_in_dim3A_338 : vector<16xi1>, vector<16xi32>
          %shift_right_arithmetic3A_340 = arith.constant 9 : i32
          %shift_right_arithmetic3A_341 = vector.broadcast %shift_right_arithmetic3A_340 : i32 to vector<16xi32>
          %shift_right_arithmetic3A_342 = arith.shrsi %select_n3A_339, %shift_right_arithmetic3A_341 : vector<16xi32>
          %and3A_343 = arith.constant 511 : i32
          %and3A_344 = vector.broadcast %and3A_343 : i32 to vector<16xi32>
          %and3A_345 = arith.andi %select_n3A_339, %and3A_344 : vector<16xi32>
          tpu.vector_store_idx %arg7[%shift_right_arithmetic3A_342, %and3A_345], %get3A_327 masked %and3A_336 : memref<80x512xf32, #tpu.memory_space<vmem>>[vector<16xi32>, vector<16xi32>], vector<16xf32>, vector<16xi1>
        }
        %scan3A_108 = arith.constant 512 : i32
      }
      "tpu.region"() ({
        %run_scoped3A = tpu.sem_alloc : memref<!tpu.dma_semaphore, #tpu.memory_space<semaphore_mem>>
        %dma_start3A = arith.constant 0 : i32
        %dma_start3A_97 = tpu.memref_slice %arg6[%mul3A_20, %dma_start3A] : memref<100000x512xf32, #tpu.memory_space<hbm>> -> memref<80x512xf32, #tpu.memory_space<hbm>>
        %dma_start3A_98 = arith.constant 0 : i32
        %dma_start3A_99 = tpu.memref_slice %arg6[%mul3A_20, %dma_start3A_98] : memref<100000x512xf32, #tpu.memory_space<hbm>> -> memref<80x512xf32, #tpu.memory_space<hbm>>
        tpu.enqueue_dma source(%arg7 : memref<80x512xf32, #tpu.memory_space<vmem>>) target(%dma_start3A_99 : memref<80x512xf32, #tpu.memory_space<hbm>>) target_semaphore(%run_scoped3A : memref<!tpu.dma_semaphore, #tpu.memory_space<semaphore_mem>>)
        %dma_wait3A = arith.constant 0 : i32
        %dma_wait3A_100 = tpu.memref_slice %arg6[%mul3A_20, %dma_wait3A] : memref<100000x512xf32, #tpu.memory_space<hbm>> -> memref<80x512xf32, #tpu.memory_space<hbm>>
        %dma_wait3A_101 = arith.constant 0 : i32
        %dma_wait3A_102 = tpu.memref_slice %arg6[%mul3A_20, %dma_wait3A_101] : memref<100000x512xf32, #tpu.memory_space<hbm>> -> memref<80x512xf32, #tpu.memory_space<hbm>>
        tpu.wait_dma2 semaphore(%run_scoped3A : memref<!tpu.dma_semaphore, #tpu.memory_space<semaphore_mem>>) src(%arg7 : memref<80x512xf32, #tpu.memory_space<vmem>>) dst(%dma_wait3A_102 : memref<80x512xf32, #tpu.memory_space<hbm>>)
        tpu.yield
      }) : () -> ()
    }
    return
  }
}

</mosaic_0001>

<sc_bundles>
// kernel: _run.3.cloned.1.call-start
scs
__scs_entry_jumppad:
0x0: {  	(pc) =	sbr.rel $0x88, $3  }
0x1: {  	(tag) =	ssettag $0x0;
	lr =	simm.s32 $0x1  }
0x2: {  	[smem:$0x3F9E] =	sst lr;
	_ =	strace $0xD0000000  }
0x3: {  	_ = 	snop  }
0x4: {  	_ = 	snop  }
0x5: {  	_ = 	snop  }
0x6: {  	_ = 	snop  }
0x7: {  	_ = 	snop  }
__scs_overlays_trampoline_lowered:
0x8: {  	[smem:$0x3FAD] =	sst s0  }
0x9: {  	[smem:$0x3FAE] =	sst s1  }
0xa: {  	[smem:$0x3FAF] =	sst s2  }
0xb: {  	[smem:$0x3FB0] =	sst s3  }
0xc: {  	[smem:$0x3FB1] =	sst s4  }
0xd: {  	[smem:$0x3FB2] =	sst s5  }
0xe: {  	[smem:$0x3FB3] =	sst s6  }
0xf: {  	[smem:$0x3FB4] =	sst s7  }
0x10: {  	[smem:$0x3FB5] =	sst s8  }
0x11: {  	[smem:$0x3FB6] =	sst s9;
	s0 =	simm.s32 @!p0 $0x0  }
0x12: {  	s1 =	sld [smem:$0x3F9C];
	s0 =	simm.s32 @p0 $0x1  }
0x13: {  	[smem:$0x3FB7] =	sst s0;
	s0 =	simm.s32 @!p1 $0x0  }
0x14: {  	s2 =	sld [smem:$0x3F9B];
	s0 =	simm.s32 @p1 $0x1  }
0x15: {  	[smem:$0x3FB8] =	sst s0;
	s0 =	simm.s32 @!p2 $0x0  }
0x16: {  	s3 =	sld [smem:$0x3FDB];
	s0 =	simm.s32 @p2 $0x1  }
0x17: {  	s4 =	simm.s32 $0x1BF5;
	[smem:$0x3FBA] =	sst s0  }
0x18: {  	s0 =	sld [smem:$0x3F9D];
	_ =	swait.ge [sflag:s4], $0x0  }
0x19: {  	s7 =	sld [smem:$0x3F9E]  }
0x1a: {  	s8 =	sadd.s32 $0xFFFFE003, lr  }
0x1b: {  	s9 =	sadd.s32 $0xFFFFFEF7, lr;
	s5 =	simm.s32 $0xFFFFFFFF;
	p2 =	slt.u32 s8, $0xFFFFF086  }
0x1c: {  	p1 =	slt.u32 s9, $0xF7A;
	s5 =	simm.s32 @!p2 $0x0  }
0x1d: {  	s5 =	simm.s32 @p1 $0x1;
	p0 =	seq.s32 s7, s2  }
0x1e: {  	s7 =	smul.u32 @!p0 $0xF7A, s2;
	p2 =	seq.s32 @!p0 s5, $0x0  }
0x1f: {  	s9 =	smul.u32 $0xF7A, s1;
	s8 =	simm.s32 @!p0 $0x1BF5;
	p2 =	por !p2, p0  }
0x20: {  	[sflag:s8] =	ssyncset.s32 @!p0 $0xFFFFF086;
	s6 =	sadd.s32 @!p0 s3, s7;
	s7 =	simm.s32 @!p0 $0x108  }
0x21: {  	s3 =	sadd.s32 s3, s9;
	s6 =	sadd.s32 @!p0 $0x88, s6;
	s7 =	simm.s32 @p2 $0x1082  }
0x22: {  	[simem:s7], [sflag:s8] =	dma.local @!p0 [hbm:s6], $0xF7A  }
0x23: {  	s9 =	sor.u32 $0xD0000000, s2;
	s6 =	simm.s32 $0x108;
	_ =	swait.ge @!p0 [sflag:s8], $0x0  }
0x24: {  	s3 =	sadd.s32 $0x88, s3;
	s6 =	simm.s32 @!p1 $0x1082;
	[sflag:s4] =	ssyncset.s32 $0xFFFFF086  }
0x25: {  	[simem:s6], [sflag:s4] =	dma.local [hbm:s3], $0xF7A  }
0x26: {  	[smem:$0x3F9E] =	sst s1;
	(tag) =	ssettag s2;
	_ =	strace s9  }
0x27: {  	s1 =	sld [smem:$0x3FAE]  }
0x28: {  	s2 =	sld [smem:$0x3FAF]  }
0x29: {  	s4 =	sld [smem:$0x3FB1]  }
0x2a: {  	p0 =	seq.s32 s5, $0x0;
	s5 =	sld [smem:$0x3FB2]  }
0x2b: {  	s6 =	sld [smem:$0x3FB3]  }
0x2c: {  	s7 =	sld [smem:$0x3FB4]  }
0x2d: {  	s3 =	simm.s32 $0x108;
	s8 =	sld [smem:$0x3FB5]  }
0x2e: {  	s3 =	simm.s32 @!p0 $0x1082;
	s9 =	sld [smem:$0x3FB6]  }
0x2f: {  	lr =	sadd.s32 s0, s3;
	s0 =	sld [smem:$0x3FAD]  }
0x30: {  	s3 =	sld [smem:$0x3FB0]  }
0x31: {  	[smem:$0x3FB9] =	sst s10  }
0x32: {  	s10 =	sld [smem:$0x3FB7];
	_ =	sdelay $0x3  }
0x33: {  	p0 =	seq.s32 s10, $0x1;
	s10 =	sld [smem:$0x3FB9];
	_ =	sdelay $0x3  }
0x34: {  	[smem:$0x3FB9] =	sst s10  }
0x35: {  	s10 =	sld [smem:$0x3FB8];
	_ =	sdelay $0x3  }
0x36: {  	p1 =	seq.s32 s10, $0x1;
	s10 =	sld [smem:$0x3FB9];
	_ =	sdelay $0x3  }
0x37: {  	[smem:$0x3FB9] =	sst s10  }
0x38: {  	s10 =	sld [smem:$0x3FBA]  }
0x39: {  	_ = 	snop;
	(pc) =	sbr.ind lr, $3  }
0x3a: {  	_ = 	snop  }
0x3b: {  	_ = 	snop  }
0x3c: {  	p2 =	seq.s32 s10, $0x1;
	s10 =	sld [smem:$0x3FB9]  }
0x3d: {  	_ =	shalt  }
0x3e: {  	_ =	shalt  }
0x3f: {  	_ =	shalt  }
0x40: {  	_ =	shalt  }
0x41: {  	_ =	shalt  }
0x42: {  	_ =	shalt  }
0x43: {  	_ =	shalt  }
0x44: {  	_ =	shalt  }
0x45: {  	_ =	shalt  }
0x46: {  	_ =	shalt  }
0x47: {  	_ =	shalt  }
0x48: {  	_ =	shalt  }
0x49: {  	_ =	shalt  }
0x4a: {  	_ =	shalt  }
0x4b: {  	_ =	shalt  }
0x4c: {  	_ =	shalt  }
0x4d: {  	_ =	shalt  }
0x4e: {  	_ =	shalt  }
0x4f: {  	_ =	shalt  }
0x50: {  	_ =	shalt  }
0x51: {  	_ =	shalt  }
0x52: {  	_ =	shalt  }
0x53: {  	_ =	shalt  }
0x54: {  	_ =	shalt  }
0x55: {  	_ =	shalt  }
0x56: {  	_ =	shalt  }
0x57: {  	_ =	shalt  }
0x58: {  	_ =	shalt  }
0x59: {  	_ =	shalt  }
0x5a: {  	_ =	shalt  }
0x5b: {  	_ =	shalt  }
0x5c: {  	_ =	shalt  }
0x5d: {  	_ =	shalt  }
0x5e: {  	_ =	shalt  }
0x5f: {  	_ =	shalt  }
0x60: {  	_ =	shalt  }
0x61: {  	_ =	shalt  }
0x62: {  	_ =	shalt  }
0x63: {  	_ =	shalt  }
0x64: {  	_ =	shalt  }
0x65: {  	_ =	shalt  }
0x66: {  	_ =	shalt  }
0x67: {  	_ =	shalt  }
0x68: {  	_ =	shalt  }
0x69: {  	_ =	shalt  }
0x6a: {  	_ =	shalt  }
0x6b: {  	_ =	shalt  }
0x6c: {  	_ =	shalt  }
0x6d: {  	_ =	shalt  }
0x6e: {  	_ =	shalt  }
0x6f: {  	_ =	shalt  }
0x70: {  	_ =	shalt  }
0x71: {  	_ =	shalt  }
0x72: {  	_ =	shalt  }
0x73: {  	_ =	shalt  }
0x74: {  	_ =	shalt  }
0x75: {  	_ =	shalt  }
0x76: {  	_ =	shalt  }
0x77: {  	_ =	shalt  }
0x78: {  	_ =	shalt  }
0x79: {  	_ =	shalt  }
0x7a: {  	_ =	shalt  }
0x7b: {  	_ =	shalt  }
0x7c: {  	_ =	shalt  }
0x7d: {  	_ =	shalt  }
0x7e: {  	_ =	shalt  }
0x7f: {  	_ =	shalt  }
0x80: {  	_ =	shalt  }
0x81: {  	_ =	shalt  }
0x82: {  	_ =	shalt  }
0x83: {  	_ =	shalt  }
0x84: {  	_ =	shalt  }
0x85: {  	_ =	shalt  }
0x86: {  	_ =	shalt  }
0x87: {  	_ =	shalt  }
.Lfunc_end0:
.L_simem_size_0:
called_computation.2_lowered:
.L_overlay_start_0:
0x88: {  	s2 =	sld [smem:$0x3FD9]  }
0x89: {  	s3 =	sld [smem:$0x3FFE];
	_ =	sdelay $0x1  }
0x8a: {  	s1 =	srdreg.scid  }
0x8b: {  	s0 =	sand.u32 $0x1, s1  }
0x8c: {  	s17 =	sshll.u32 s0, $0xA;
	s2 =	sadd.s32 s3, s2  }
0x8d: {  	s2 =	sadd.s32 s2, s17  }
0x8e: {  	[smem:$0x3FC5] =	sst s2  }
0x8f: {  	_ = 	snop  }
0x90: {  	s2 =	sld [smem:$0x3FC9]  }
0x91: {  	s18 =	sld [smem:$0x3FD0];
	(tm) =	ssettm $0x1  }
0x92: {  	s4 =	sld [smem:$0x3FFB];
	_ =	sdelay $0x3  }
0x93: {  	_ =	strace s4  }
0x94: {  	s4 =	sld [smem:$0x3FFC];
	_ =	sdelay $0x3  }
0x95: {  	_ =	strace s4  }
0x96: {  	s4 =	sld [smem:$0x3FFD];
	_ =	sdelay $0x3  }
0x97: {  	_ =	strace s4  }
0x98: {  	_ =	strace $0x8FFFFFFF  }
0x99: {  	s19 =	sld [smem:$0x3FDB];
	_ =	sdelay $0x1  }
0x9a: {  	s5 =	simm.s32 $_scs_section_size  }
0x9b: {  	s6 =	simm.s32 $_size__tile_overlayer_lowered;
	s7 =	simm.s32 $_tile_overlayer_lowered  }
0x9c: {  	s22 =	simm.s32 $0x1BFF;
	s21 =	sshll.u32 s7, $0x1;
	s4 =	sadd.s32 s5, s19  }
0x9d: {  	s8 =	simm.s32 $0x0;
	s20 =	sshll.u32 s6, $0x1;
	s6 =	sadd.s32 s21, s4  }
0x9e: {  	[timem:s8], [sflag:s22] =	dma.local [hbm:s6], s20  }
0x9f: {  	_ =	swait.ge [sflag:s22], s20  }
0xa0: {  	s5 =	ssub.s32 $0x0, s20;
	[sflag:s22] =	ssyncset.done $0x0  }
0xa1: {  	[sflag:s22] =	ssyncadd.s32 s5;
	_ =	sdelay $0x1  }
0xa2: {  	s23 =	simm.s32 $0x1B8B  }
0xa3: {  	_ =	swait.ge [sflag:s23], $0x1  }
0xa4: {  	[sflag:s23] =	ssyncset.done $0x0  }
0xa5: {  	s25 =	simm.s32 $0x1B8E;
	s24 =	sld [smem:$0x3FFE];
	[sflag:s23] =	ssyncadd.s32 $0xFFFFFFFF  }
0xa6: {  	s26 =	simm.s32 $execute0_lowered;
	[smem:$0x3FD2] =	sst s25  }
0xa7: {  	s6 =	sshll.u32 s26, $0x1;
	_ =	strace $0x8000004C;
	[dreg:$0x1] =	wrdreg $0xFFFFFFFF  }
0xa8: {  	s28 =	simm.s32 $_size_execute0_lowered;
	s4 =	sadd.s32 s4, s6;
	[dreg:$0x0] =	wrdreg $0x0  }
0xa9: {  	s6 =	sshll.u32 s28, $0x1;
	[dreg:$0x2] =	wrdreg s4  }
0xaa: {  	[dreg:$0x3] =	wrdreg s6  }
0xab: {  	[dreg:$0x4] =	wrdreg $0xC0  }
0xac: {  	_ =	task [dreg:s8], $0x5FFFF  }
0xad: {  	[dreg:$0x1] =	wrdreg $0xFFFFFFFF  }
0xae: {  	[dreg:$0x0] =	wrdreg $0x60  }
0xaf: {  	[dreg:$0x2] =	wrdreg s2  }
0xb0: {  	[dreg:$0x3] =	wrdreg s24  }
0xb1: {  	[dreg:$0x4] =	wrdreg s18  }
0xb2: {  	[dreg:$0x5] =	wrdreg $0x9  }
0xb3: {  	_ =	task.clear_ibuf [dreg:s8], $0x6FFFF;
	_ =	strace $0x9000004C  }
0xb4: {  	s29 =	simm.s32 $0x9;
	_ =	strace $0x8000004E  }
0xb5: {  	_ =	swait.ge [sflag:s29], $0x1  }
0xb6: {  	[sflag:s29] =	ssyncadd.s32 $0xFFFFFFFF  }
0xb7: {  	_ =	strace $0x9000004E  }
0xb8: {  	_ =	sfence  }
0xb9: {  	s30 =	sld [smem:$0x0];
	_ =	sdelay $0x2  }
0xba: {  	s31 =	sshll.u32 s1, $0xD;
	s1 =	sshrl.u32 s1, $0x2  }
0xbb: {  	s3 =	sand.u32 $0x4000, s31;
	s1 =	sadd.s32 s1, s30  }
0xbc: {  	s0 =	sor.u32 s3, s0;
	s1 =	sshll.u32 s1, $0x11  }
0xbd: {  	s0 =	sor.u32 s1, s0  }
0xbe: {  	s0 =	sadd.s32 $0x8F2B, s0  }
0xbf: {  	[sflag:s0] =	ssyncadd.remote.s32 $0x1  }
0xc0: {  	_ =	sfence.sel $0xFFFF  }
0xc1: {  	[dreg:$0x0] =	wrdreg $0xFFFFFFFF;
	(pc) =	sbr.abs _section_cstart, $3  }
0xc2: {  	[dreg:$0x1] =	wrdreg $0xFFFFFFFF  }
0xc3: {  	_ =	task.clear_ibuf [dreg:s8], $0x2FFFF;
	_ =	strace $0x9FFFFFFF  }
0xc4: {  	(tm) =	ssettm $0x7FFFFFFF  }
0xc5: {  	_ =	shalt  }
tec
execute0_lowered:
.L_overlay_start_1:
0x0: {  	(tag) =	ssettag $0x1  }
0x1: {  	s1 =	rddreg [dreg:$0x0]  }
0x2: {  	s7 =	rddreg [dreg:$0x1]  }
0x3: {  	s2 =	rddreg [dreg:$0x2]  }
0x4: {  	s0 =	rddreg [dreg:$0x3];
	s3 =	simm.s32 $0x0  }
0x5: {  	s8 =	srdreg.scid;
	s4 =	stileid.u32;
	s14 =	simm.s32 $0xC000  }
0x6: {  	s15 =	simm.s32 $0x0;
	[smem:$0x7FF] =	sst s3;
	s5 =	sadd.s32 $0x100A00, s7  }
0x7: {  	s6 =	sadd.s32 $0x200C00, s7;
	s8 =	sand.u32 $0x1, s8;
	s9 =	sshll.u32 s4, $0x1  }
.Ltmp0:
0x8: {  	s10 =	ssub.s32 $0x2, s8;
	s8 =	sor.u32 s8, s9;
	(pc) =	sbr.rel .LBB2_1-.Ltmp0, $4  }
0x9: {  	s7 =	sadd.s32 $0xA00, s7;
	_ =	strace $0x8000004D;
	s11 =	sand.u32 $0x7, s8  }
0xa: {  	s31 =	sshrl.u32 s10, $0x1;
	s12 =	ssub.s32 $0x501, s8;
	s13 =	sadd.s32 $0x1, s11  }
0xb: {  	v2 =	vlaneseq.u32;
	s10 =	ssub.s32 s10, s31;
	s9 =	sshrl.u32 s12, $0x5;
	v0 =	vmov s11;
	s11 =	simm.s32 $0xE000;
	v1 =	vmov s13  }
0xc: {  	s12 =	simm.s32 $0x1;
	s10 =	smax.u32 s10, $0x1;
	vm1 =	veq.s32 v0, v2;
	s13 =	simm.s32 $0xA000;
	vm0 =	veq.s32 v1, v2  }
.LBB2_8:
0xd: {  	s15 =	sadd.s32 $0x1, s15  }
0xe: {  	p0 =	sne.s32 s15, s10  }
.Ltmp1:
0xf: {  	_ = 	snop;
	(pc) =	sbr.rel @!p0 .LBB2_9-.Ltmp1, $1  }
0x10: {  	_ =	sdelay $0x3  }
.LBB2_1:
.Ltmp2:
0x11: {  	(pc) =	sbr.rel .LBB2_2-.Ltmp2, $4  }
0x12: {  	[tilespmem:s11], [sflag:$0x1] =	stream.linear.gather [hbm4b:s7+s3], $0x500, $0x38;
	[tilespmem:$0xE500] =	vst v63  }
0x13: {  	_ =	swait.ge [sflag:s12], $0x500  }
0x14: {  	[sflag:s12] =	ssyncset.done $0x0  }
0x15: {  	s16 =	simm.s32 $0x0;
	[sflag:s12] =	ssyncadd.s32 $0xFFFFFB00  }
.LBB2_7:
0x16: {  	s16 =	sadd.s32 $0x1, s16  }
0x17: {  	p0 =	sne.s32 s16, s9  }
.Ltmp3:
0x18: {  	s17 =	sadd.s32 s2, s17;
	(pc) =	sbr.rel @!p0 .LBB2_8-.Ltmp3, $4  }
0x19: {  	[hbm4b:s17+s3] =	stream.linear.scatter [tilespmem:s3], [sflag:$0x1], $0xA000, $0x38;
	[tilespmem:$0xE500] =	vst v63  }
0x1a: {  	_ =	swait.ge [sflag:s12], $0xA000  }
0x1b: {  	[sflag:s12] =	ssyncset.done $0x0  }
0x1c: {  	[sflag:s12] =	ssyncadd.s32 $0xFFFF6000  }
.LBB2_2:
0x1d: {  	s17 =	sshll.u32 s16, $0x5  }
0x1e: {  	s18 =	sor.u32 s8, s17  }
0x1f: {  	s20 =	smul.u32 $0xA000, s18;
	_ =	sdelay $0x1  }
0x20: {  	s17 =	sshrl.u32 s20, $0x3  }
0x21: {  	s19 =	sadd.s32 s1, s17  }
0x22: {  	[tilespmem:s3], [sflag:$0x1] =	stream.linear.gather [hbm4b:s19+s3], $0xA000, $0x38;
	[tilespmem:$0xE500] =	vst v63  }
0x23: {  	_ =	swait.ge [sflag:s12], $0xA000  }
0x24: {  	[sflag:s12] =	ssyncset.done $0x0  }
0x25: {  	s18 =	sand.u32 $0xFFFFFFF8, s18;
	[sflag:s12] =	ssyncadd.s32 $0xFFFF6000  }
0x26: {  	v0 =	vld [tilespmem:s18+$0xE000];
	_ =	sdelay $0x4  }
0x27: {  	v0 =	vxor.u32 $0x80000000, v0  }
0x28: {  	v1 =	vnsel vm1, $0x0, v0  }
0x29: {  	v0 =	vnsel vm0, $0x0, v0;
	(xrf0) =	vmax.scan.msk.u32 $0xffff, v1  }
0x2a: {  	(xrf0) =	vmax.scan.msk.u32 $0xffff, v0;
	_ =	sdelay $0x4  }
0x2b: {  	v62, _, _ =	vpop (xrf0)  }
0x2c: {  	(v2sf) =	vpush v62, $0xF;
	v63, _, _ =	vpop (xrf0)  }
0x2d: {  	(v2sf) =	vpush v63, $0xF;
	_ =	sdelay $0xd  }
0x2e: {  	s29 =	spop (v2sf)  }
0x2f: {  	s30 =	spop (v2sf);
	s18 =	sand.u32 $0xFFFFFFF8, s29  }
0x30: {  	s19 =	sxor.u32 $0x80000000, s30;
	s18 =	sxor.u32 $0x80000000, s18  }
0x31: {  	s19 =	ssub.s32 s19, s18  }
0x32: {  	s19 =	sadd.s32 $0x1FFF, s19  }
0x33: {  	s21 =	sand.u32 $0x1FFF, s19  }
0x34: {  	s31 =	sshra.s32 s19, $0x1F;
	p1 =	slt.s32 s19, $0x1;
	p0 =	sne.s32 s21, $0x0  }
0x35: {  	s21 =	sshrl.u32 s31, $0x13;
	p0 =	por !p1, !p0  }
0x36: {  	s19 =	sadd.s32 s21, s19;
	s21 =	simm.s32 $0x1;
	p0 =	por !p0, !p0  }
0x37: {  	s19 =	sshra.s32 s19, $0xD;
	s21 =	simm.s32 @!p0 $0x0  }
0x38: {  	s19 =	ssub.s32 s19, s21  }
0x39: {  	p0 =	slt.s32 s19, $0x1  }
.Ltmp4:
0x3a: {  	_ = 	snop;
	(pc) =	sbr.rel @p0 .LBB2_7-.Ltmp4, $1  }
0x3b: {  	_ =	sdelay $0x3  }
0x3c: {  	v0 =	vmov s20;
	s20 =	simm.s32 $0x0  }
.LBB2_4:
0x3d: {  	s21 =	sshll.u32 s20, $0xD  }
0x3e: {  	s21 =	sadd.s32 s18, s21  }
0x3f: {  	p0 =	slt.s32 s21, $0x7FE000  }
0x40: {  	s21 =	simm.s32 @!p0 $0x7FE000  }
0x41: {  	s21 =	sshrl.u32 s21, $0x3  }
0x42: {  	s22 =	sadd.s32 s5, s21  }
0x43: {  	[tilespmem:s13], [sflag:$0x1] =	stream.linear.gather [hbm4b:s22+s3], $0x2000, $0x38;
	[tilespmem:$0xE500] =	vst v63  }
0x44: {  	_ =	swait.ge [sflag:s12], $0x2000  }
0x45: {  	[sflag:s12] =	ssyncset.done $0x0  }
0x46: {  	s21 =	sadd.s32 s6, s21;
	[sflag:s12] =	ssyncadd.s32 $0xFFFFE000  }
0x47: {  	[tilespmem:s14], [sflag:$0x1] =	stream.linear.gather [hbm4b:s21+s3], $0x2000, $0x38;
	[tilespmem:$0xE500] =	vst v63  }
0x48: {  	_ =	swait.ge [sflag:s12], $0x2000  }
0x49: {  	s23 =	simm.s32 $0xC040;
	[sflag:s12] =	ssyncset.done $0x0  }
0x4a: {  	s22 =	simm.s32 $0xA040;
	s21 =	simm.s32 $0xFFFFFFF8;
	[sflag:s12] =	ssyncadd.s32 $0xFFFFE000  }
.LBB2_5:
0x4b: {  	v1 =	vld [tilespmem:s22+$0xFFFFFFC0];
	_ =	sdelay $0x4  }
0x4c: {  	v1 =	vsub.s32 v1, v0  }
0x4d: {  	vm2 =	vlt.u32 v1, $0xA000  }
0x4e: {  	v1 =	vnsel vm2, $0x0, v1  }
0x4f: {  	v2 =	vshll.u32 v1, $0x3  }
0x50: {  	v3 =	vshrl.u32 v1, $0x2;
	v1 =	vand.u32 $0xFFFFF07F, v1;
	v2 =	vand.u32 $0xC00, v2  }
0x51: {  	v3 =	vand.u32 $0x380, v3;
	v1 =	vor.u32 v2, v1  }
0x52: {  	v2 =	vld [tilespmem:s23+$0xFFFFFFC0];
	v1 =	vor.u32 v3, v1;
	_ =	sdelay $0x4  }
0x53: {  	[tilespmem:v1+s3+$0x0] =	vst.idx.msk vm2, v2  }
0x54: {  	v1 =	vld [tilespmem:s22+$0xFFFFFFD0];
	_ =	sdelay $0x4  }
0x55: {  	v1 =	vsub.s32 v1, v0  }
0x56: {  	vm2 =	vlt.u32 v1, $0xA000  }
0x57: {  	v1 =	vnsel vm2, $0x0, v1  }
0x58: {  	v2 =	vshll.u32 v1, $0x3  }
0x59: {  	v3 =	vshrl.u32 v1, $0x2;
	v1 =	vand.u32 $0xFFFFF07F, v1;
	v2 =	vand.u32 $0xC00, v2  }
0x5a: {  	v3 =	vand.u32 $0x380, v3;
	v1 =	vor.u32 v2, v1  }
0x5b: {  	v2 =	vld [tilespmem:s23+$0xFFFFFFD0];
	v1 =	vor.u32 v3, v1;
	_ =	sdelay $0x4  }
0x5c: {  	[tilespmem:v1+s3+$0x0] =	vst.idx.msk vm2, v2  }
0x5d: {  	v1 =	vld [tilespmem:s22+$0xFFFFFFE0];
	_ =	sdelay $0x4  }
0x5e: {  	v1 =	vsub.s32 v1, v0  }
0x5f: {  	vm2 =	vlt.u32 v1, $0xA000  }
0x60: {  	v1 =	vnsel vm2, $0x0, v1  }
0x61: {  	v2 =	vshll.u32 v1, $0x3  }
0x62: {  	v3 =	vshrl.u32 v1, $0x2;
	v1 =	vand.u32 $0xFFFFF07F, v1;
	v2 =	vand.u32 $0xC00, v2  }
0x63: {  	v3 =	vand.u32 $0x380, v3;
	v1 =	vor.u32 v2, v1  }
0x64: {  	v2 =	vld [tilespmem:s23+$0xFFFFFFE0];
	v1 =	vor.u32 v3, v1;
	_ =	sdelay $0x4  }
0x65: {  	[tilespmem:v1+s3+$0x0] =	vst.idx.msk vm2, v2  }
0x66: {  	v1 =	vld [tilespmem:s22+$0xFFFFFFF0];
	_ =	sdelay $0x4  }
0x67: {  	v1 =	vsub.s32 v1, v0  }
0x68: {  	vm2 =	vlt.u32 v1, $0xA000  }
0x69: {  	v1 =	vnsel vm2, $0x0, v1  }
0x6a: {  	v2 =	vshll.u32 v1, $0x3  }
0x6b: {  	v3 =	vshrl.u32 v1, $0x2;
	v1 =	vand.u32 $0xFFFFF07F, v1;
	v2 =	vand.u32 $0xC00, v2  }
0x6c: {  	v3 =	vand.u32 $0x380, v3;
	v1 =	vor.u32 v2, v1  }
0x6d: {  	v2 =	vld [tilespmem:s23+$0xFFFFFFF0];
	v1 =	vor.u32 v3, v1;
	_ =	sdelay $0x4  }
0x6e: {  	[tilespmem:v1+s3+$0x0] =	vst.idx.msk vm2, v2  }
0x6f: {  	v1 =	vld [tilespmem:s22+$0x0];
	_ =	sdelay $0x4  }
0x70: {  	v1 =	vsub.s32 v1, v0  }
0x71: {  	vm2 =	vlt.u32 v1, $0xA000  }
0x72: {  	v1 =	vnsel vm2, $0x0, v1  }
0x73: {  	v2 =	vshll.u32 v1, $0x3  }
0x74: {  	v3 =	vshrl.u32 v1, $0x2;
	v1 =	vand.u32 $0xFFFFF07F, v1;
	v2 =	vand.u32 $0xC00, v2  }
0x75: {  	v3 =	vand.u32 $0x380, v3;
	v1 =	vor.u32 v2, v1  }
0x76: {  	v2 =	vld [tilespmem:s23+$0x0];
	v1 =	vor.u32 v3, v1;
	_ =	sdelay $0x4  }
0x77: {  	[tilespmem:v1+s3+$0x0] =	vst.idx.msk vm2, v2  }
0x78: {  	v1 =	vld [tilespmem:s22+$0x10];
	_ =	sdelay $0x4  }
0x79: {  	v1 =	vsub.s32 v1, v0  }
0x7a: {  	vm2 =	vlt.u32 v1, $0xA000  }
0x7b: {  	v1 =	vnsel vm2, $0x0, v1  }
0x7c: {  	v2 =	vshll.u32 v1, $0x3  }
0x7d: {  	v3 =	vshrl.u32 v1, $0x2;
	v1 =	vand.u32 $0xFFFFF07F, v1;
	v2 =	vand.u32 $0xC00, v2  }
0x7e: {  	v3 =	vand.u32 $0x380, v3;
	v1 =	vor.u32 v2, v1  }
0x7f: {  	v2 =	vld [tilespmem:s23+$0x10];
	v1 =	vor.u32 v3, v1;
	_ =	sdelay $0x4  }
0x80: {  	[tilespmem:v1+s3+$0x0] =	vst.idx.msk vm2, v2  }
0x81: {  	v1 =	vld [tilespmem:s22+$0x20];
	_ =	sdelay $0x4  }
0x82: {  	v1 =	vsub.s32 v1, v0  }
0x83: {  	vm2 =	vlt.u32 v1, $0xA000  }
0x84: {  	v1 =	vnsel vm2, $0x0, v1  }
0x85: {  	v2 =	vshll.u32 v1, $0x3  }
0x86: {  	v3 =	vshrl.u32 v1, $0x2;
	v1 =	vand.u32 $0xFFFFF07F, v1;
	v2 =	vand.u32 $0xC00, v2  }
0x87: {  	v3 =	vand.u32 $0x380, v3;
	v1 =	vor.u32 v2, v1  }
0x88: {  	v2 =	vld [tilespmem:s23+$0x20];
	v1 =	vor.u32 v3, v1;
	_ =	sdelay $0x4  }
0x89: {  	[tilespmem:v1+s3+$0x0] =	vst.idx.msk vm2, v2  }
0x8a: {  	v1 =	vld [tilespmem:s22+$0x30];
	_ =	sdelay $0x4  }
0x8b: {  	v1 =	vsub.s32 v1, v0  }
0x8c: {  	vm2 =	vlt.u32 v1, $0xA000  }
0x8d: {  	v1 =	vnsel vm2, $0x0, v1  }
0x8e: {  	v2 =	vshll.u32 v1, $0x3  }
0x8f: {  	v3 =	vshrl.u32 v1, $0x2;
	v1 =	vand.u32 $0xFFFFF07F, v1;
	v2 =	vand.u32 $0xC00, v2  }
0x90: {  	s21 =	sadd.s32 $0x8, s21;
	v3 =	vand.u32 $0x380, v3;
	v1 =	vor.u32 v2, v1  }
0x91: {  	p0 =	slt.u32 s21, $0x1F8;
	v2 =	vld [tilespmem:s23+$0x30];
	v1 =	vor.u32 v3, v1  }
.Ltmp5:
0x92: {  	_ = 	snop;
	(pc) =	sbr.rel @p0 .LBB2_5-.Ltmp5, $2  }
0x93: {  	_ =	sdelay $0x2  }
0x94: {  	s22 =	sadd.s32 $0x80, s22;
	s23 =	sadd.s32 $0x80, s23;
	[tilespmem:v1+s3+$0x0] =	vst.idx.msk vm2, v2  }
0x95: {  	s20 =	sadd.s32 $0x1, s20  }
0x96: {  	p0 =	sne.s32 s20, s19  }
.Ltmp6:
0x97: {  	_ = 	snop;
	(pc) =	sbr.rel @p0 .LBB2_4-.Ltmp6, $4  }
.Ltmp7:
0x98: {  	_ = 	snop;
	(pc) =	sbr.rel @!p0 .LBB2_7-.Ltmp7, $4  }
0x99: {  	_ = 	snop  }
0x9a: {  	_ = 	snop  }
0x9b: {  	_ = 	snop  }
0x9c: {  	_ = 	snop  }
.LBB2_9:
0x9d: {  	_ =	sfence.sel $0x180000  }
0x9e: {  	[bflag:$0x0] =	sbarrier.arrive $0xFFFF  }
0x9f: {  	p0 =	sne.s32 s4, $0x0;
	_ =	strace $0x9000004D  }
0xa0: {  	s0 =	sadd.s32 @!p0 $0x100000, s0;
	[bflag:$0x2] =	sbarrier.arrive $0xFFFF  }
0xa1: {  	[sflag:s0] =	ssyncadd.tile.s32 @!p0 $0x1;
	_ =	shalt  }
.Lfunc_end2:
_tile_overlayer_lowered:
.L_overlay_start_2:
0xa2: {  	(tag) =	ssettag $0x2  }
0xa3: {  	s0 =	rddreg [dreg:$0x0];
	s2 =	stileid.u32  }
0xa4: {  	s1 =	rddreg [dreg:$0x1];
	p0 =	sne.s32 s2, $0x0  }
0xa5: {  	s3 =	rddreg [dreg:$0x2];
	[bflag:$0x3] =	sbarrier.arrive $0xFFFF;
	s2 =	simm.s32 @!p0 $0x1C01  }
0xa6: {  	[timem:s3], [sflag:s2] =	dma.local @!p0 [hbm:s0], s1  }
0xa7: {  	s0 =	simm.s32 @!p0 $0x1  }
0xa8: {  	_ =	swait.ge @!p0 [sflag:s0], s1  }
0xa9: {  	s1 =	ssub.s32 @!p0 $0x0, s1;
	[sflag:s0] =	ssyncset.done @!p0 $0x0  }
0xaa: {  	[sflag:s0] =	ssyncadd.s32 @!p0 s1  }
0xab: {  	[bflag:$0x3] =	sbarrier.arrive $0xFFFF  }
0xac: {  	_ =	shalt  }

// kernel: sparse-core-data-format-call.1.cloned.1.call-start
scs
called_computation.1_lowered:
.L_overlay_start_0:
0x0: {  	s2 =	sld [smem:$0x3FD9]  }
0x1: {  	s3 =	sld [smem:$0x3FFE];
	_ =	sdelay $0x1  }
0x2: {  	s1 =	srdreg.scid  }
0x3: {  	s0 =	sand.u32 $0x1, s1  }
0x4: {  	s18 =	sshll.u32 s0, $0xA;
	s2 =	sadd.s32 s3, s2  }
0x5: {  	s2 =	sadd.s32 s2, s18  }
0x6: {  	[smem:$0x3FC5] =	sst s2  }
0x7: {  	_ = 	snop  }
0x8: {  	s2 =	sld [smem:$0x3FD0];
	(tm) =	ssettm $0x1  }
0x9: {  	s19 =	sld [smem:$0x3FFB];
	_ =	sdelay $0x3  }
0xa: {  	_ =	strace s19  }
0xb: {  	s3 =	sld [smem:$0x3FFC];
	_ =	sdelay $0x3  }
0xc: {  	_ =	strace s3  }
0xd: {  	s3 =	sld [smem:$0x3FFD];
	_ =	sdelay $0x3  }
0xe: {  	_ =	strace s3  }
0xf: {  	_ =	strace $0x8FFFFFFF  }
0x10: {  	s20 =	sld [smem:$0x3FDB];
	_ =	sdelay $0x1  }
0x11: {  	s4 =	simm.s32 $_scs_section_size  }
0x12: {  	s5 =	simm.s32 $_size__tile_overlayer_lowered;
	s6 =	simm.s32 $_tile_overlayer_lowered  }
0x13: {  	s23 =	simm.s32 $0x1BFF;
	s22 =	sshll.u32 s6, $0x1;
	s3 =	sadd.s32 s4, s20  }
0x14: {  	s7 =	simm.s32 $0x0;
	s21 =	sshll.u32 s5, $0x1;
	s5 =	sadd.s32 s22, s3  }
0x15: {  	[timem:s7], [sflag:s23] =	dma.local [hbm:s5], s21  }
0x16: {  	_ =	swait.ge [sflag:s23], s21  }
0x17: {  	s4 =	ssub.s32 $0x0, s21;
	[sflag:s23] =	ssyncset.done $0x0  }
0x18: {  	[sflag:s23] =	ssyncadd.s32 s4;
	_ =	sdelay $0x1  }
0x19: {  	s24 =	simm.s32 $0x1B8B  }
0x1a: {  	_ =	swait.ge [sflag:s24], $0x1  }
0x1b: {  	[sflag:s24] =	ssyncset.done $0x0  }
0x1c: {  	s26 =	simm.s32 $0x1B8E;
	s25 =	sld [smem:$0x3FFE];
	[sflag:s24] =	ssyncadd.s32 $0xFFFFFFFF  }
0x1d: {  	s27 =	simm.s32 $execute0_lowered;
	[smem:$0x3FD2] =	sst s26  }
0x1e: {  	s5 =	sshll.u32 s27, $0x1;
	_ =	strace $0x80000046;
	[dreg:$0x1] =	wrdreg $0xFFFFFFFF  }
0x1f: {  	s28 =	simm.s32 $_size_execute0_lowered;
	s3 =	sadd.s32 s3, s5;
	[dreg:$0x0] =	wrdreg $0x0  }
0x20: {  	s5 =	sshll.u32 s28, $0x1;
	[dreg:$0x2] =	wrdreg s3  }
0x21: {  	[dreg:$0x3] =	wrdreg s5  }
0x22: {  	[dreg:$0x4] =	wrdreg $0xC0  }
0x23: {  	_ =	task [dreg:s7], $0x5FFFF  }
0x24: {  	[dreg:$0x1] =	wrdreg $0xFFFFFFFF  }
0x25: {  	[dreg:$0x0] =	wrdreg $0x60  }
0x26: {  	[dreg:$0x2] =	wrdreg s2  }
0x27: {  	[dreg:$0x3] =	wrdreg s25  }
0x28: {  	[dreg:$0x4] =	wrdreg $0xA  }
0x29: {  	_ =	task.clear_ibuf [dreg:s7], $0x5FFFF;
	_ =	strace $0x90000046  }
0x2a: {  	s29 =	simm.s32 $0xA;
	_ =	strace $0x80000048  }
0x2b: {  	_ =	swait.ge [sflag:s29], $0x1  }
0x2c: {  	[sflag:s29] =	ssyncadd.s32 $0xFFFFFFFF  }
0x2d: {  	_ =	strace $0x90000048  }
0x2e: {  	_ =	sfence  }
0x2f: {  	s30 =	sld [smem:$0x0];
	_ =	sdelay $0x2  }
0x30: {  	s31 =	sshll.u32 s1, $0xD;
	s1 =	sshrl.u32 s1, $0x2  }
0x31: {  	s3 =	sand.u32 $0x4000, s31;
	s1 =	sadd.s32 s1, s30  }
0x32: {  	s0 =	sor.u32 s3, s0;
	s1 =	sshll.u32 s1, $0x11  }
0x33: {  	s0 =	sor.u32 s1, s0  }
0x34: {  	s0 =	sadd.s32 $0x8F2B, s0  }
0x35: {  	[sflag:s0] =	ssyncadd.remote.s32 $0x1  }
0x36: {  	_ =	sfence.sel $0xFFFF  }
0x37: {  	[dreg:$0x0] =	wrdreg $0xFFFFFFFF;
	(pc) =	sbr.abs _section_cstart, $3  }
0x38: {  	[dreg:$0x1] =	wrdreg $0xFFFFFFFF  }
0x39: {  	_ =	task.clear_ibuf [dreg:s7], $0x2FFFF;
	_ =	strace $0x9FFFFFFF  }
0x3a: {  	(tm) =	ssettm $0x7FFFFFFF  }
0x3b: {  	_ =	shalt  }
tec
execute0_lowered:
.L_overlay_start_1:
0x0: {  	(tag) =	ssettag $0x1  }
0x1: {  	s0 =	srdreg.scid  }
0x2: {  	s1 =	sshll.u32 s0, $0x4  }
0x3: {  	s2 =	rddreg [dreg:$0x0];
	s0 =	stileid.u32;
	s1 =	sand.u32 $0x10, s1  }
0x4: {  	s4 =	rddreg [dreg:$0x1];
	s7 =	simm.s32 $0x1;
	s1 =	sor.u32 s0, s1  }
0x5: {  	s8 =	simm.s32 $0x2;
	s9 =	simm.s32 $0x0;
	s3 =	sshll.u32 s1, $0x2  }
0x6: {  	s12 =	simm.s32 $0x0;
	s11 =	simm.s32 $0x0;
	s6 =	ssub.s32 $0x800, s3  }
.Ltmp0:
0x7: {  	s4 =	sadd.s32 $0xA00, s4;
	s5 =	sand.u32 $0x7C, s6;
	(pc) =	sbr.rel .LBB1_1-.Ltmp0, $4  }
0x8: {  	s1 =	rddreg [dreg:$0x2];
	_ =	strace $0x80000047;
	p0 =	sne.s32 s5, $0x0  }
0x9: {  	s6 =	sshrl.u32 s6, $0x7;
	s5 =	simm.s32 $0x1;
	s7 =	simm.s32 @!p0 $0x0  }
0xa: {  	s10 =	smov.u32 s3;
	[sflag:s5] =	ssyncpa.u1 $0x0;
	s6 =	sadd.s32 s7, s6  }
0xb: {  	[sflag:s8] =	ssyncpa.u1 $0x0;
	s8 =	simm.s32 $0x0;
	s7 =	sadd.s32 $0x1, s6  }
.LBB1_9:
0xc: {  	s14 =	sadd.s32 $0x80, s10  }
0xd: {  	p1 =	sgt.s32 s14, $0x7FF  }
0xe: {  	s14 =	smov.u32 @p1 s3;
	p1 =	sne.s32 s11, s7  }
.Ltmp1:
0xf: {  	p0 =	slt.u32 s11, $0x2;
	(pc) =	sbr.rel @!p1 .LBB1_10-.Ltmp1, $4  }
0x10: {  	s13 =	simm.s32 @!p0 $0x2  }
0x11: {  	s15 =	sadd.s32 $0x1, s11;
	_ =	swait.ge @!p0 [sflag:s13], $0x4000  }
0x12: {  	s12 =	smov.u32 s10;
	s9 =	sadd.s32 $0x4000, s9;
	[sflag:s13] =	ssyncset.done @!p0 $0x0  }
0x13: {  	s11 =	smov.u32 s15;
	s10 =	smov.u32 s14;
	[sflag:s13] =	ssyncadd.s32 @!p0 $0xFFFFC000  }
.LBB1_1:
0x14: {  	p0 =	sge.u32 s11, s6  }
0x15: {  	s13 =	sxor.u32 @!p0 $0xFFFFFFFF, s11  }
0x16: {  	s31 =	sadd.s32 $0xFFFFFFFF, s11;
	s14 =	sshll.u32 @!p0 s10, $0x9;
	s13 =	sshll.u32 @!p0 s13, $0xE  }
0x17: {  	s15 =	simm.s32 @!p0 $0x0;
	s14 =	sadd.s32 @!p0 s2, s14;
	s13 =	sand.u32 @!p0 $0x4000, s13  }
0x18: {  	[tilespmem:s13], [sflag:$0x1] =	stream.linear.gather @!p0 [hbm4b:s14+s15], $0x4000, $0x38;
	[tilespmem:$0x10000] =	vst v63  }
0x19: {  	p0 =	sge.u32 s31, s6  }
.Ltmp2:
0x1a: {  	_ = 	snop;
	(pc) =	sbr.rel @p0 .LBB1_9-.Ltmp2, $1  }
0x1b: {  	_ =	sdelay $0x3  }
0x1c: {  	s14 =	sand.u32 $0x4000, s9  }
0x1d: {  	_ =	swait.ge [sflag:s5], $0x4000;
	s15 =	sshll.u32 s11, $0xE;
	s16 =	simm.s32 $0x0  }
0x1e: {  	s13 =	sor.u32 $0x40, s14;
	[sflag:s5] =	ssyncset.done $0x0;
	s15 =	sand.u32 $0x4000, s15  }
0x1f: {  	s14 =	sor.u32 $0x8040, s14;
	[sflag:s5] =	ssyncadd.s32 $0xFFFFC000;
	s15 =	sor.u32 $0x8000, s15  }
.LBB1_3:
0x20: {  	s17 =	smov.u32 s14;
	s18 =	smov.u32 s13;
	s19 =	simm.s32 $0x0  }
.LBB1_4:
0x21: {  	v0 =	vmov s17;
	v2 =	vld [tilespmem:s18+$0x30]  }
0x22: {  	v4 =	vld [tilespmem:s18+$0xFFFFFFD0]  }
0x23: {  	v6 =	vld [tilespmem:s18+$0xFFFFFFE0]  }
0x24: {  	v7 =	vld [tilespmem:s18+$0xFFFFFFF0]  }
0x25: {  	s20 =	simm.s32 $0x0;
	v1 =	vld [tilespmem:s18+$0x0]  }
0x26: {  	v3 =	vld [tilespmem:s18+$0x10];
	[tilespmem:v0+s20+$0x30 ss:$0x1] =	vst.idx.msk $0xffff, v2  }
0x27: {  	v5 =	vld [tilespmem:s18+$0x20];
	[tilespmem:v0+s20+$0xFFFFFFD0 ss:$0x1] =	vst.idx.msk $0xffff, v4  }
0x28: {  	s21 =	sadd.s32 $0x80, s18;
	v2 =	vld [tilespmem:s18+$0xFFFFFFC0];
	[tilespmem:v0+s20+$0xFFFFFFE0 ss:$0x1] =	vst.idx.msk $0xffff, v6  }
0x29: {  	s22 =	simm.s32 $0x800;
	s23 =	simm.s32 $0x1000;
	v4 =	vld [tilespmem:s21+$0x30];
	[tilespmem:v0+s20+$0xFFFFFFF0 ss:$0x1] =	vst.idx.msk $0xffff, v7  }
.LBB1_5:
0x2a: {  	p0 =	sne.s32 s23, $0x3800;
	v6 =	vld [tilespmem:s21+$0xFFFFFFD0];
	[tilespmem:v0+s20+$0x0 ss:$0x1] =	vst.idx.msk $0xffff, v1  }
0x2b: {  	v7 =	vld [tilespmem:s21+$0xFFFFFFE0];
	[tilespmem:v0+s20+$0x10 ss:$0x1] =	vst.idx.msk $0xffff, v3  }
0x2c: {  	v8 =	vld [tilespmem:s21+$0xFFFFFFF0];
	[tilespmem:v0+s20+$0x20 ss:$0x1] =	vst.idx.msk $0xffff, v5  }
.Ltmp3:
0x2d: {  	v1 =	vld [tilespmem:s21+$0x0];
	[tilespmem:v0+s20+$0xFFFFFFC0 ss:$0x1] =	vst.idx.msk $0xffff, v2;
	s20 =	sshra.s32 s22, $0x2;
	s22 =	smov.u32 s23;
	(pc) =	sbr.rel @p0 .LBB1_5-.Ltmp3, $4  }
0x2e: {  	v3 =	vld [tilespmem:s21+$0x10];
	[tilespmem:v0+s20+$0x30 ss:$0x1] =	vst.idx.msk $0xffff, v4  }
0x2f: {  	[tilespmem:v0+s20+$0xFFFFFFD0 ss:$0x1] =	vst.idx.msk $0xffff, v6;
	v5 =	vld [tilespmem:s21+$0x20]  }
0x30: {  	v2 =	vld [tilespmem:s21+$0xFFFFFFC0];
	[tilespmem:v0+s20+$0xFFFFFFE0 ss:$0x1] =	vst.idx.msk $0xffff, v7;
	s21 =	sadd.s32 $0x80, s21  }
0x31: {  	s23 =	sadd.s32 $0x800, s23;
	v4 =	vld [tilespmem:s21+$0x30];
	[tilespmem:v0+s20+$0xFFFFFFF0 ss:$0x1] =	vst.idx.msk $0xffff, v8  }
0x32: {  	_ =	sdelay $0x3  }
0x33: {  	v6 =	vld [tilespmem:s21+$0xFFFFFFD0];
	[tilespmem:v0+s20+$0x0 ss:$0x1] =	vst.idx.msk $0xffff, v1  }
0x34: {  	v58 =	vld [tilespmem:s21+$0xFFFFFFE0];
	[tilespmem:v0+s20+$0x10 ss:$0x1] =	vst.idx.msk $0xffff, v3  }
0x35: {  	v59 =	vld [tilespmem:s21+$0xFFFFFFF0];
	[tilespmem:v0+s20+$0x20 ss:$0x1] =	vst.idx.msk $0xffff, v5  }
0x36: {  	s22 =	sshra.s32 s22, $0x2;
	v60 =	vld [tilespmem:s21+$0x0];
	[tilespmem:v0+s20+$0xFFFFFFC0 ss:$0x1] =	vst.idx.msk $0xffff, v2  }
0x37: {  	v61 =	vld [tilespmem:s21+$0x10];
	[tilespmem:v0+s22+$0x30 ss:$0x1] =	vst.idx.msk $0xffff, v4  }
0x38: {  	v62 =	vld [tilespmem:s21+$0x20];
	s19 =	sadd.s32 $0x1, s19;
	[tilespmem:v0+s22+$0xFFFFFFD0 ss:$0x1] =	vst.idx.msk $0xffff, v6  }
0x39: {  	v63 =	vld [tilespmem:s21+$0xFFFFFFC0];
	p0 =	sne.s32 s19, $0x4;
	[tilespmem:v0+s22+$0xFFFFFFE0 ss:$0x1] =	vst.idx.msk $0xffff, v58  }
.Ltmp4:
0x3a: {  	[tilespmem:v0+s22+$0xFFFFFFF0 ss:$0x1] =	vst.idx.msk $0xffff, v59;
	(pc) =	sbr.rel @p0 .LBB1_4-.Ltmp4, $4  }
0x3b: {  	[tilespmem:v0+s22+$0x0 ss:$0x1] =	vst.idx.msk $0xffff, v60  }
0x3c: {  	[tilespmem:v0+s22+$0x10 ss:$0x1] =	vst.idx.msk $0xffff, v61  }
0x3d: {  	[tilespmem:v0+s22+$0x20 ss:$0x1] =	vst.idx.msk $0xffff, v62  }
0x3e: {  	s18 =	sadd.s32 $0x400, s18;
	s17 =	sadd.s32 $0x80, s17;
	[tilespmem:v0+s22+$0xFFFFFFC0 ss:$0x1] =	vst.idx.msk $0xffff, v63  }
0x3f: {  	s16 =	sadd.s32 $0x1, s16  }
0x40: {  	p0 =	sne.s32 s16, $0x4  }
.Ltmp5:
0x41: {  	_ = 	snop;
	(pc) =	sbr.rel @p0 .LBB1_3-.Ltmp5, $2  }
0x42: {  	_ =	sdelay $0x2  }
0x43: {  	s13 =	sadd.s32 $0x1000, s13;
	s14 =	sadd.s32 $0x1000, s14  }
.Ltmp6:
0x44: {  	(pc) =	sbr.rel .LBB1_9-.Ltmp6, $4  }
0x45: {  	_ = 	snop  }
0x46: {  	s12 =	sshll.u32 s12, $0x9  }
0x47: {  	s12 =	sadd.s32 s4, s12  }
0x48: {  	[hbm4b:s12+s8] =	stream.linear.scatter [tilespmem:s15], [sflag:$0x2], $0x4000, $0x38;
	[tilespmem:$0x10000] =	vst v63  }
.LBB1_10:
0x49: {  	_ =	sfence.sel $0x180000  }
0x4a: {  	s2 =	simm.s32 $0x1;
	[bflag:$0x0] =	sbarrier.arrive $0xFFFF  }
0x4b: {  	s31 =	simm.s32 $0x2;
	[sflag:s2] =	ssyncpa.u1 $0x1  }
0x4c: {  	[sflag:s31] =	ssyncpa.u1 $0x1  }
0x4d: {  	p0 =	sne.s32 s0, $0x0;
	_ =	strace $0x90000047  }
0x4e: {  	s0 =	sadd.s32 @!p0 $0x100000, s1;
	[bflag:$0x2] =	sbarrier.arrive $0xFFFF  }
0x4f: {  	[sflag:s0] =	ssyncadd.tile.s32 @!p0 $0x1;
	_ =	shalt  }
.Lfunc_end1:
_tile_overlayer_lowered:
.L_overlay_start_2:
0x50: {  	(tag) =	ssettag $0x2  }
0x51: {  	s0 =	rddreg [dreg:$0x0];
	s2 =	stileid.u32  }
0x52: {  	s1 =	rddreg [dreg:$0x1];
	p0 =	sne.s32 s2, $0x0  }
0x53: {  	s3 =	rddreg [dreg:$0x2];
	[bflag:$0x3] =	sbarrier.arrive $0xFFFF;
	s2 =	simm.s32 @!p0 $0x1C01  }
0x54: {  	[timem:s3], [sflag:s2] =	dma.local @!p0 [hbm:s0], s1  }
0x55: {  	s0 =	simm.s32 @!p0 $0x1  }
0x56: {  	_ =	swait.ge @!p0 [sflag:s0], s1  }
0x57: {  	s1 =	ssub.s32 @!p0 $0x0, s1;
	[sflag:s0] =	ssyncset.done @!p0 $0x0  }
0x58: {  	[sflag:s0] =	ssyncadd.s32 @!p0 s1  }
0x59: {  	[bflag:$0x3] =	sbarrier.arrive $0xFFFF  }
0x5a: {  	_ =	shalt  }

// kernel: sparse-core-data-format-call.cloned.1.call-start
scs
called_computation_lowered:
.L_overlay_start_0:
0x0: {  	s2 =	sld [smem:$0x3FD9]  }
0x1: {  	s3 =	sld [smem:$0x3FFE];
	_ =	sdelay $0x1  }
0x2: {  	s1 =	srdreg.scid  }
0x3: {  	s0 =	sand.u32 $0x1, s1  }
0x4: {  	s18 =	sshll.u32 s0, $0xA;
	s2 =	sadd.s32 s3, s2  }
0x5: {  	s2 =	sadd.s32 s2, s18  }
0x6: {  	[smem:$0x3FC5] =	sst s2  }
0x7: {  	_ = 	snop  }
0x8: {  	s19 =	sld [smem:$0x3FC7];
	(tm) =	ssettm $0x1  }
0x9: {  	s20 =	sld [smem:$0x3FFB];
	_ =	sdelay $0x3  }
0xa: {  	_ =	strace s20  }
0xb: {  	s2 =	sld [smem:$0x3FFC];
	_ =	sdelay $0x3  }
0xc: {  	_ =	strace s2  }
0xd: {  	s2 =	sld [smem:$0x3FFD];
	_ =	sdelay $0x3  }
0xe: {  	_ =	strace s2  }
0xf: {  	_ =	strace $0x8FFFFFFF  }
0x10: {  	s21 =	sld [smem:$0x3FDB];
	_ =	sdelay $0x1  }
0x11: {  	s4 =	simm.s32 $_scs_section_size  }
0x12: {  	s5 =	simm.s32 $_size__tile_overlayer_lowered;
	s6 =	simm.s32 $_tile_overlayer_lowered  }
0x13: {  	s7 =	simm.s32 $0x1BFF;
	s22 =	sshll.u32 s6, $0x1;
	s4 =	sadd.s32 s4, s21  }
0x14: {  	s23 =	simm.s32 $0x0;
	s5 =	sshll.u32 s5, $0x1;
	s6 =	sadd.s32 s22, s4  }
0x15: {  	[timem:s23], [sflag:s7] =	dma.local [hbm:s6], s5  }
0x16: {  	_ =	swait.ge [sflag:s7], s5  }
0x17: {  	s5 =	ssub.s32 $0x0, s5;
	[sflag:s7] =	ssyncset.done $0x0  }
0x18: {  	[sflag:s7] =	ssyncadd.s32 s5;
	_ =	sdelay $0x1  }
0x19: {  	s24 =	simm.s32 $0x1B8B  }
0x1a: {  	_ =	swait.ge [sflag:s24], $0x1  }
0x1b: {  	[sflag:s24] =	ssyncset.done $0x0  }
0x1c: {  	[sflag:s24] =	ssyncadd.s32 $0xFFFFFFFF  }
0x1d: {  	s5 =	sld [smem:$0x0]  }
0x1e: {  	s6 =	sand.u32 $0xFFFFFFFE, s1  }
0x1f: {  	p0 =	sne.s32 s1, s6  }
0x20: {  	s6 =	sshll.u32 @p0 s6, $0xE  }
0x21: {  	s6 =	sadd.s32 @p0 $0x11B8D, s6;
	s7 =	sshll.u32 @p0 s5, $0x11  }
0x22: {  	s6 =	sor.u32 @p0 s7, s6  }
0x23: {  	[sflag:s6] =	ssyncadd.remote.s32 @p0 $0x1;
	_ =	sdelay $0x1  }
0x24: {  	s6 =	simm.s32 @p0 $0x1B8D  }
0x25: {  	_ =	swait.eq @p0 [sflag:s6], $0x1  }
0x26: {  	[sflag:s6] =	ssyncadd.s32 @p0 $0xFFFFFFFF  }
0x27: {  	s7 =	sshll.u32 @!p0 s1, $0xE  }
0x28: {  	s7 =	sor.u32 @!p0 $0x4000, s7;
	s6 =	simm.s32 @!p0 $0x1B8D  }
0x29: {  	s5 =	sshll.u32 @!p0 s5, $0x11;
	s7 =	sadd.s32 @!p0 $0x11B8D, s7;
	_ =	swait.eq @!p0 [sflag:s6], $0x1  }
0x2a: {  	s5 =	sor.u32 @!p0 s5, s7;
	[sflag:s6] =	ssyncadd.s32 @!p0 $0xFFFFFFFF  }
0x2b: {  	s26 =	simm.s32 $0x1B8E;
	s25 =	sld [smem:$0x3FFE];
	[sflag:s5] =	ssyncadd.remote.s32 @!p0 $0x1  }
0x2c: {  	s27 =	simm.s32 $execute0_lowered;
	[smem:$0x3FD2] =	sst s26  }
0x2d: {  	s6 =	sshll.u32 s27, $0x1;
	_ =	strace $0x80000049;
	[dreg:$0x1] =	wrdreg $0xFFFFFFFF  }
0x2e: {  	s28 =	simm.s32 $_size_execute0_lowered;
	s4 =	sadd.s32 s4, s6;
	[dreg:$0x0] =	wrdreg $0x0  }
0x2f: {  	s6 =	sshll.u32 s28, $0x1;
	[dreg:$0x2] =	wrdreg s4  }
0x30: {  	[dreg:$0x3] =	wrdreg s6  }
0x31: {  	[dreg:$0x4] =	wrdreg $0xC0  }
0x32: {  	_ =	task [dreg:s23], $0x5FFFF  }
0x33: {  	[dreg:$0x1] =	wrdreg $0xFFFFFFFF  }
0x34: {  	[dreg:$0x0] =	wrdreg $0x60  }
0x35: {  	[dreg:$0x2] =	wrdreg s19  }
0x36: {  	[dreg:$0x3] =	wrdreg s25  }
0x37: {  	[dreg:$0x4] =	wrdreg $0x9  }
0x38: {  	_ =	task.clear_ibuf [dreg:s23], $0x5FFFF;
	_ =	strace $0x90000049  }
0x39: {  	s29 =	simm.s32 $0x9;
	_ =	strace $0x8000004B  }
0x3a: {  	_ =	swait.ge [sflag:s29], $0x1  }
0x3b: {  	[sflag:s29] =	ssyncadd.s32 $0xFFFFFFFF  }
0x3c: {  	_ =	strace $0x9000004B  }
0x3d: {  	_ =	sfence  }
0x3e: {  	s30 =	sld [smem:$0x0];
	_ =	sdelay $0x2  }
0x3f: {  	s31 =	sshll.u32 s1, $0xD;
	s1 =	sshrl.u32 s1, $0x2  }
0x40: {  	s4 =	sand.u32 $0x4000, s31;
	s1 =	sadd.s32 s1, s30  }
0x41: {  	s0 =	sor.u32 s4, s0;
	s1 =	sshll.u32 s1, $0x11  }
0x42: {  	s0 =	sor.u32 s1, s0  }
0x43: {  	s0 =	sadd.s32 $0x8F2B, s0  }
0x44: {  	[sflag:s0] =	ssyncadd.remote.s32 $0x1  }
0x45: {  	_ =	sfence.sel $0xFFFF  }
0x46: {  	[dreg:$0x0] =	wrdreg $0xFFFFFFFF;
	(pc) =	sbr.abs _section_cstart, $3  }
0x47: {  	[dreg:$0x1] =	wrdreg $0xFFFFFFFF  }
0x48: {  	_ =	task.clear_ibuf [dreg:s23], $0x2FFFF;
	_ =	strace $0x9FFFFFFF  }
0x49: {  	(tm) =	ssettm $0x7FFFFFFF  }
tec
execute0_lowered:
.L_overlay_start_1:
0x0: {  	(tag) =	ssettag $0x1  }
0x1: {  	s0 =	srdreg.scid  }
0x2: {  	s1 =	sshll.u32 s0, $0x4  }
0x3: {  	s2 =	rddreg [dreg:$0x0];
	s0 =	stileid.u32;
	s1 =	sand.u32 $0x10, s1  }
0x4: {  	s4 =	rddreg [dreg:$0x1];
	s7 =	simm.s32 $0x1;
	s1 =	sor.u32 s0, s1  }
0x5: {  	s8 =	simm.s32 $0x2;
	s9 =	simm.s32 $0x0;
	s3 =	sshll.u32 s1, $0x2  }
0x6: {  	s12 =	simm.s32 $0x0;
	s11 =	simm.s32 $0x0;
	s6 =	ssub.s32 $0x800, s3  }
.Ltmp0:
0x7: {  	s4 =	sadd.s32 $0x100A00, s4;
	s5 =	sand.u32 $0x7C, s6;
	(pc) =	sbr.rel .LBB1_1-.Ltmp0, $4  }
0x8: {  	s1 =	rddreg [dreg:$0x2];
	_ =	strace $0x8000004A;
	p0 =	sne.s32 s5, $0x0  }
0x9: {  	s6 =	sshrl.u32 s6, $0x7;
	s5 =	simm.s32 $0x1;
	s7 =	simm.s32 @!p0 $0x0  }
0xa: {  	s10 =	smov.u32 s3;
	[sflag:s5] =	ssyncpa.u1 $0x0;
	s6 =	sadd.s32 s7, s6  }
0xb: {  	[sflag:s8] =	ssyncpa.u1 $0x0;
	s8 =	simm.s32 $0x0;
	s7 =	sadd.s32 $0x1, s6  }
.LBB1_9:
0xc: {  	s14 =	sadd.s32 $0x80, s10  }
0xd: {  	p1 =	sgt.s32 s14, $0x7FF  }
0xe: {  	s14 =	smov.u32 @p1 s3;
	p1 =	sne.s32 s11, s7  }
.Ltmp1:
0xf: {  	p0 =	slt.u32 s11, $0x2;
	(pc) =	sbr.rel @!p1 .LBB1_10-.Ltmp1, $4  }
0x10: {  	s13 =	simm.s32 @!p0 $0x2  }
0x11: {  	s15 =	sadd.s32 $0x1, s11;
	_ =	swait.ge @!p0 [sflag:s13], $0x4000  }
0x12: {  	s12 =	smov.u32 s10;
	s9 =	sadd.s32 $0x4000, s9;
	[sflag:s13] =	ssyncset.done @!p0 $0x0  }
0x13: {  	s11 =	smov.u32 s15;
	s10 =	smov.u32 s14;
	[sflag:s13] =	ssyncadd.s32 @!p0 $0xFFFFC000  }
.LBB1_1:
0x14: {  	p0 =	sge.u32 s11, s6  }
0x15: {  	s13 =	sxor.u32 @!p0 $0xFFFFFFFF, s11  }
0x16: {  	s31 =	sadd.s32 $0xFFFFFFFF, s11;
	s14 =	sshll.u32 @!p0 s10, $0x9;
	s13 =	sshll.u32 @!p0 s13, $0xE  }
0x17: {  	s15 =	simm.s32 @!p0 $0x0;
	s14 =	sadd.s32 @!p0 s2, s14;
	s13 =	sand.u32 @!p0 $0x4000, s13  }
0x18: {  	[tilespmem:s13], [sflag:$0x1] =	stream.linear.gather @!p0 [hbm4b:s14+s15], $0x4000, $0x38;
	[tilespmem:$0x10000] =	vst v63  }
0x19: {  	p0 =	sge.u32 s31, s6  }
.Ltmp2:
0x1a: {  	_ = 	snop;
	(pc) =	sbr.rel @p0 .LBB1_9-.Ltmp2, $1  }
0x1b: {  	_ =	sdelay $0x3  }
0x1c: {  	s14 =	sand.u32 $0x4000, s9  }
0x1d: {  	_ =	swait.ge [sflag:s5], $0x4000;
	s15 =	sshll.u32 s11, $0xE;
	s16 =	simm.s32 $0x0  }
0x1e: {  	s13 =	sor.u32 $0x40, s14;
	[sflag:s5] =	ssyncset.done $0x0;
	s15 =	sand.u32 $0x4000, s15  }
0x1f: {  	s14 =	sor.u32 $0x8040, s14;
	[sflag:s5] =	ssyncadd.s32 $0xFFFFC000;
	s15 =	sor.u32 $0x8000, s15  }
.LBB1_3:
0x20: {  	s17 =	smov.u32 s14;
	s18 =	smov.u32 s13;
	s19 =	simm.s32 $0x0  }
.LBB1_4:
0x21: {  	v0 =	vmov s17;
	v2 =	vld [tilespmem:s18+$0x30]  }
0x22: {  	v4 =	vld [tilespmem:s18+$0xFFFFFFD0]  }
0x23: {  	v6 =	vld [tilespmem:s18+$0xFFFFFFE0]  }
0x24: {  	v7 =	vld [tilespmem:s18+$0xFFFFFFF0]  }
0x25: {  	s20 =	simm.s32 $0x0;
	v1 =	vld [tilespmem:s18+$0x0]  }
0x26: {  	v3 =	vld [tilespmem:s18+$0x10];
	[tilespmem:v0+s20+$0x30 ss:$0x1] =	vst.idx.msk $0xffff, v2  }
0x27: {  	v5 =	vld [tilespmem:s18+$0x20];
	[tilespmem:v0+s20+$0xFFFFFFD0 ss:$0x1] =	vst.idx.msk $0xffff, v4  }
0x28: {  	s21 =	sadd.s32 $0x80, s18;
	v2 =	vld [tilespmem:s18+$0xFFFFFFC0];
	[tilespmem:v0+s20+$0xFFFFFFE0 ss:$0x1] =	vst.idx.msk $0xffff, v6  }
0x29: {  	s22 =	simm.s32 $0x800;
	s23 =	simm.s32 $0x1000;
	v4 =	vld [tilespmem:s21+$0x30];
	[tilespmem:v0+s20+$0xFFFFFFF0 ss:$0x1] =	vst.idx.msk $0xffff, v7  }
.LBB1_5:
0x2a: {  	p0 =	sne.s32 s23, $0x3800;
	v6 =	vld [tilespmem:s21+$0xFFFFFFD0];
	[tilespmem:v0+s20+$0x0 ss:$0x1] =	vst.idx.msk $0xffff, v1  }
0x2b: {  	v7 =	vld [tilespmem:s21+$0xFFFFFFE0];
	[tilespmem:v0+s20+$0x10 ss:$0x1] =	vst.idx.msk $0xffff, v3  }
0x2c: {  	v8 =	vld [tilespmem:s21+$0xFFFFFFF0];
	[tilespmem:v0+s20+$0x20 ss:$0x1] =	vst.idx.msk $0xffff, v5  }
.Ltmp3:
0x2d: {  	v1 =	vld [tilespmem:s21+$0x0];
	[tilespmem:v0+s20+$0xFFFFFFC0 ss:$0x1] =	vst.idx.msk $0xffff, v2;
	s20 =	sshra.s32 s22, $0x2;
	s22 =	smov.u32 s23;
	(pc) =	sbr.rel @p0 .LBB1_5-.Ltmp3, $4  }
0x2e: {  	v3 =	vld [tilespmem:s21+$0x10];
	[tilespmem:v0+s20+$0x30 ss:$0x1] =	vst.idx.msk $0xffff, v4  }
0x2f: {  	[tilespmem:v0+s20+$0xFFFFFFD0 ss:$0x1] =	vst.idx.msk $0xffff, v6;
	v5 =	vld [tilespmem:s21+$0x20]  }
0x30: {  	v2 =	vld [tilespmem:s21+$0xFFFFFFC0];
	[tilespmem:v0+s20+$0xFFFFFFE0 ss:$0x1] =	vst.idx.msk $0xffff, v7;
	s21 =	sadd.s32 $0x80, s21  }
0x31: {  	s23 =	sadd.s32 $0x800, s23;
	v4 =	vld [tilespmem:s21+$0x30];
	[tilespmem:v0+s20+$0xFFFFFFF0 ss:$0x1] =	vst.idx.msk $0xffff, v8  }
0x32: {  	_ =	sdelay $0x3  }
0x33: {  	v6 =	vld [tilespmem:s21+$0xFFFFFFD0];
	[tilespmem:v0+s20+$0x0 ss:$0x1] =	vst.idx.msk $0xffff, v1  }
0x34: {  	v58 =	vld [tilespmem:s21+$0xFFFFFFE0];
	[tilespmem:v0+s20+$0x10 ss:$0x1] =	vst.idx.msk $0xffff, v3  }
0x35: {  	v59 =	vld [tilespmem:s21+$0xFFFFFFF0];
	[tilespmem:v0+s20+$0x20 ss:$0x1] =	vst.idx.msk $0xffff, v5  }
0x36: {  	s22 =	sshra.s32 s22, $0x2;
	v60 =	vld [tilespmem:s21+$0x0];
	[tilespmem:v0+s20+$0xFFFFFFC0 ss:$0x1] =	vst.idx.msk $0xffff, v2  }
0x37: {  	v61 =	vld [tilespmem:s21+$0x10];
	[tilespmem:v0+s22+$0x30 ss:$0x1] =	vst.idx.msk $0xffff, v4  }
0x38: {  	v62 =	vld [tilespmem:s21+$0x20];
	s19 =	sadd.s32 $0x1, s19;
	[tilespmem:v0+s22+$0xFFFFFFD0 ss:$0x1] =	vst.idx.msk $0xffff, v6  }
0x39: {  	v63 =	vld [tilespmem:s21+$0xFFFFFFC0];
	p0 =	sne.s32 s19, $0x4;
	[tilespmem:v0+s22+$0xFFFFFFE0 ss:$0x1] =	vst.idx.msk $0xffff, v58  }
.Ltmp4:
0x3a: {  	[tilespmem:v0+s22+$0xFFFFFFF0 ss:$0x1] =	vst.idx.msk $0xffff, v59;
	(pc) =	sbr.rel @p0 .LBB1_4-.Ltmp4, $4  }
0x3b: {  	[tilespmem:v0+s22+$0x0 ss:$0x1] =	vst.idx.msk $0xffff, v60  }
0x3c: {  	[tilespmem:v0+s22+$0x10 ss:$0x1] =	vst.idx.msk $0xffff, v61  }
0x3d: {  	[tilespmem:v0+s22+$0x20 ss:$0x1] =	vst.idx.msk $0xffff, v62  }
0x3e: {  	s18 =	sadd.s32 $0x400, s18;
	s17 =	sadd.s32 $0x80, s17;
	[tilespmem:v0+s22+$0xFFFFFFC0 ss:$0x1] =	vst.idx.msk $0xffff, v63  }
0x3f: {  	s16 =	sadd.s32 $0x1, s16  }
0x40: {  	p0 =	sne.s32 s16, $0x4  }
.Ltmp5:
0x41: {  	_ = 	snop;
	(pc) =	sbr.rel @p0 .LBB1_3-.Ltmp5, $2  }
0x42: {  	_ =	sdelay $0x2  }
0x43: {  	s13 =	sadd.s32 $0x1000, s13;
	s14 =	sadd.s32 $0x1000, s14  }
.Ltmp6:
0x44: {  	(pc) =	sbr.rel .LBB1_9-.Ltmp6, $4  }
0x45: {  	_ = 	snop  }
0x46: {  	s12 =	sshll.u32 s12, $0x9  }
0x47: {  	s12 =	sadd.s32 s4, s12  }
0x48: {  	[hbm4b:s12+s8] =	stream.linear.scatter [tilespmem:s15], [sflag:$0x2], $0x4000, $0x38;
	[tilespmem:$0x10000] =	vst v63  }
.LBB1_10:
0x49: {  	_ =	sfence.sel $0x180000  }
0x4a: {  	s2 =	simm.s32 $0x1;
	[bflag:$0x0] =	sbarrier.arrive $0xFFFF  }
0x4b: {  	s31 =	simm.s32 $0x2;
	[sflag:s2] =	ssyncpa.u1 $0x1  }
0x4c: {  	[sflag:s31] =	ssyncpa.u1 $0x1  }
0x4d: {  	p0 =	sne.s32 s0, $0x0;
	_ =	strace $0x9000004A  }
0x4e: {  	s0 =	sadd.s32 @!p0 $0x100000, s1;
	[bflag:$0x2] =	sbarrier.arrive $0xFFFF  }
0x4f: {  	[sflag:s0] =	ssyncadd.tile.s32 @!p0 $0x1;
	_ =	shalt  }
.Lfunc_end1:
_tile_overlayer_lowered:
.L_overlay_start_2:
0x50: {  	(tag) =	ssettag $0x2  }
0x51: {  	s0 =	rddreg [dreg:$0x0];
	s2 =	stileid.u32  }
0x52: {  	s1 =	rddreg [dreg:$0x1];
	p0 =	sne.s32 s2, $0x0  }
0x53: {  	s3 =	rddreg [dreg:$0x2];
	[bflag:$0x3] =	sbarrier.arrive $0xFFFF;
	s2 =	simm.s32 @!p0 $0x1C01  }
0x54: {  	[timem:s3], [sflag:s2] =	dma.local @!p0 [hbm:s0], s1  }
0x55: {  	s0 =	simm.s32 @!p0 $0x1  }
0x56: {  	_ =	swait.ge @!p0 [sflag:s0], s1  }
0x57: {  	s1 =	ssub.s32 @!p0 $0x0, s1;
	[sflag:s0] =	ssyncset.done @!p0 $0x0  }
0x58: {  	[sflag:s0] =	ssyncadd.s32 @!p0 s1  }
0x59: {  	[bflag:$0x3] =	sbarrier.arrive $0xFFFF  }
0x5a: {  	_ =	shalt  }

</sc_bundles>
